<compile_context>
chip_gen: v7x
topology: tpu7x:2x2x1
jax: 0.10.2.dev20260603
libtpu: 0.0.44.dev20260713+nightly
codegen_flags: <defaults>
</compile_context>

<pallas_src>
import functools

import jax
import jax.numpy as jnp
from jax import lax
from jax.experimental import pallas as pl
from jax.experimental.pallas import tpu as pltpu
from jax.experimental.pallas import tpu_sc as plsc

_CLASS_NUM = 100000
_DIM = 128
_BATCH = 16384

_NC = 2
_NS = 16
_NW = _NC * _NS
_BPW = _BATCH // _NW
_CHUNK = 128
_NCHUNK = _BPW // _CHUNK
_LANES = 16
_M = 0.9


def _sc_update(keys, index, que, out_ref):
  mesh = plsc.VectorSubcoreMesh(core_axis_name="c", subcore_axis_name="s")

  @functools.partial(
      pl.kernel,
      mesh=mesh,
      out_type=(),
      scratch_types=[
          pltpu.VMEM((_NCHUNK, _CHUNK), jnp.int32),
          pltpu.VMEM((_BPW, _DIM), jnp.float32),
          pltpu.VMEM((_DIM,), jnp.float32),
          [pltpu.SemaphoreType.DMA] * _NCHUNK,
          [pltpu.SemaphoreType.DMA] * 1,
          pltpu.SemaphoreType.DMA,
          pltpu.SemaphoreType.DMA,
      ],
  )
  def k(keys_hbm, idx_hbm, que_hbm, out_hbm, idx_v, rows_v, keys_v, gsems,
        isems, ksem, ssem):
    wid = lax.axis_index("s") * _NC + lax.axis_index("c")
    base = wid * _BPW

    kcopy = pltpu.async_copy(keys_hbm, keys_v, ksem)
    icopy = pltpu.async_copy(
        idx_hbm.at[pl.ds(wid * _NCHUNK, _NCHUNK)], idx_v, isems[0]
    )

    icopy.wait()
    gathers = [
        pltpu.async_copy(
            que_hbm.at[idx_v.at[j]],
            rows_v.at[pl.ds(j * _CHUNK, _CHUNK)],
            gsems[j],
        )
        for j in range(_NCHUNK)
    ]

    kcopy.wait()
    kc = [keys_v[pl.ds(c * _LANES, _LANES)] * (1.0 - _M)
          for c in range(_DIM // _LANES)]

    scatters = []
    for j in range(_NCHUNK):
      gathers[j].wait()
      lo = j * _CHUNK

      def row_body(r):
        for c in range(_DIM // _LANES):
          sl = pl.ds(c * _LANES, _LANES)
          rows_v[r, sl] = rows_v[r, sl] * _M + kc[c]

      plsc.parallel_loop(lo, lo + _CHUNK, unroll=8)(row_body)

      scatters.append(
          pltpu.async_copy(
              rows_v.at[pl.ds(lo, _CHUNK)],
              out_hbm.at[idx_v.at[j]],
              ssem,
          )
      )
    for s in scatters:
      s.wait()

  k(keys, index, que, out_ref)


def kernel(keys, index, que):
  out_ref = jax.new_ref(que)
  idx2d = index.astype(jnp.int32).reshape(_BATCH // _CHUNK, _CHUNK)
  _sc_update(keys, idx2d, que, out_ref)
  return jax.freeze(out_ref)

# --- scband reference (transcript-rebuilt; emitter-appended) ---
"""Pipeline reference for scband-queue-con-37726992728540 (READ-ONLY COPY).

The authoritative reference and input builder live on the scoring server;
editing this copy changes nothing except your own understanding.
"""

import jax, jax.numpy as jnp
import numpy as np

CLASS_NUM = 100000
DIM = 128
BATCH = 16384


def setup_inputs(seed: int = 0) -> dict:
    key = jax.random.key(seed)
    k1, k2, k3 = jax.random.split(key, 3)
    que = jax.random.normal(k1, (CLASS_NUM, DIM), dtype=jnp.float32)
    keys = jax.random.normal(k2, (DIM,), dtype=jnp.float32)
    index = jax.random.randint(k3, (BATCH,), 0, CLASS_NUM)
    return {"keys": keys, "index": index, "que": que}


def reference(keys, index, que):
    # Faithful translation of Queue_con.update_queue:
    #   temp = que[index, :] * m
    #   que[index, :] = (1 - m) * keys.unsqueeze(0) + temp
    #   return que
    m = 0.9
    temp = jnp.take(que, index, axis=0) * m
    new_rows = (1.0 - m) * keys[None, :] + temp
    que = que.at[index].set(new_rows)
    return que

if __name__ == "__main__":
    import jax
    _d = setup_inputs()
    print(jax.jit(kernel)(*tuple(_d.values())))

</pallas_src>

<mosaic_0001>
#map = affine_map<(d0, d1) -> (0)>
#map1 = affine_map<(d0, d1) -> (0, 0)>
module attributes {stable_mosaic.version = 14 : i64} {
  func.func @new_body(%arg0: i32, %arg1: i32, %arg2: memref<128xf32, #tpu.memory_space<hbm>>, %arg3: memref<128x128xi32, #tpu.memory_space<hbm>>, %arg4: memref<100000x128xf32, #tpu.memory_space<hbm>>, %arg5: memref<100000x128xf32, #tpu.memory_space<hbm>>, %arg6: memref<100000x128xf32, #tpu.memory_space<hbm>>, %arg7: memref<4x128xi32, #tpu.memory_space<vmem>>, %arg8: memref<512x128xf32, #tpu.memory_space<vmem>>, %arg9: memref<128xf32, #tpu.memory_space<vmem>>, %arg10: memref<!tpu.dma_semaphore, #tpu.memory_space<semaphore_mem>>, %arg11: memref<!tpu.dma_semaphore, #tpu.memory_space<semaphore_mem>>, %arg12: memref<!tpu.dma_semaphore, #tpu.memory_space<semaphore_mem>>, %arg13: memref<!tpu.dma_semaphore, #tpu.memory_space<semaphore_mem>>, %arg14: memref<!tpu.dma_semaphore, #tpu.memory_space<semaphore_mem>>, %arg15: memref<!tpu.dma_semaphore, #tpu.memory_space<semaphore_mem>>, %arg16: memref<!tpu.dma_semaphore, #tpu.memory_space<semaphore_mem>>) attributes {dimension_semantics = [#tpu.dimension_semantics<core_parallel>, #tpu.dimension_semantics<subcore_parallel>], iteration_bounds = array<i64: 2, 16>, scalar_prefetch = 0 : i64, scratch_operands = 10 : i64, tpu.core_type = #tpu.core_type<sc_vector_subcore>, window_params = [{transform_indices = #map}, {transform_indices = #map1}, {transform_indices = #map1}, {transform_indices = #map1}, {transform_indices = #map1}]} {
    %mul3A = arith.constant 2 : i32
    %mul3A_0 = arith.muli %arg1, %mul3A : i32
    %add3A = arith.addi %mul3A_0, %arg0 : i32
    %mul3A_1 = arith.constant 512 : i32
    %mul3A_2 = arith.muli %add3A, %mul3A_1 : i32
    tpu.enqueue_dma source(%arg2 : memref<128xf32, #tpu.memory_space<hbm>>) target(%arg9 : memref<128xf32, #tpu.memory_space<vmem>>) target_semaphore(%arg15 : memref<!tpu.dma_semaphore, #tpu.memory_space<semaphore_mem>>)
    %mul3A_3 = arith.constant 4 : i32
    %mul3A_4 = arith.muli %add3A, %mul3A_3 : i32
    %dma_start3A = arith.constant 0 : i32
    %dma_start3A_5 = tpu.memref_slice %arg3[%mul3A_4, %dma_start3A] : memref<128x128xi32, #tpu.memory_space<hbm>> -> memref<4x128xi32, #tpu.memory_space<hbm>>
    %dma_start3A_6 = arith.constant 0 : i32
    %dma_start3A_7 = tpu.memref_slice %arg3[%mul3A_4, %dma_start3A_6] : memref<128x128xi32, #tpu.memory_space<hbm>> -> memref<4x128xi32, #tpu.memory_space<hbm>>
    tpu.enqueue_dma source(%dma_start3A_7 : memref<4x128xi32, #tpu.memory_space<hbm>>) target(%arg7 : memref<4x128xi32, #tpu.memory_space<vmem>>) target_semaphore(%arg14 : memref<!tpu.dma_semaphore, #tpu.memory_space<semaphore_mem>>)
    %dma_wait3A = arith.constant 0 : i32
    %dma_wait3A_8 = tpu.memref_slice %arg3[%mul3A_4, %dma_wait3A] : memref<128x128xi32, #tpu.memory_space<hbm>> -> memref<4x128xi32, #tpu.memory_space<hbm>>
    %dma_wait3A_9 = arith.constant 0 : i32
    %dma_wait3A_10 = tpu.memref_slice %arg3[%mul3A_4, %dma_wait3A_9] : memref<128x128xi32, #tpu.memory_space<hbm>> -> memref<4x128xi32, #tpu.memory_space<hbm>>
    tpu.wait_dma2 semaphore(%arg14 : memref<!tpu.dma_semaphore, #tpu.memory_space<semaphore_mem>>) src(%dma_wait3A_10 : memref<4x128xi32, #tpu.memory_space<hbm>>) dst(%arg7 : memref<4x128xi32, #tpu.memory_space<vmem>>)
    %dma_start3A_11 = arith.constant 0 : i32
    %dma_start3A_12 = arith.constant 0 : i32
    %dma_start3A_13 = arith.constant 0 : i32
    %dma_start3A_14 = tpu.memref_slice %arg8[%dma_start3A_12, %dma_start3A_13] : memref<512x128xf32, #tpu.memory_space<vmem>> -> memref<128x128xf32, #tpu.memory_space<vmem>>
    %dma_start3A_15 = arith.constant 0 : i32
    %dma_start3A_16 = tpu.memref_slice %arg7[%dma_start3A_11, %dma_start3A_15] : memref<4x128xi32, #tpu.memory_space<vmem>> -> memref<1x128xi32, #tpu.memory_space<vmem>>
    %dma_start3A_17 = tpu.memref_squeeze %dma_start3A_16 : memref<1x128xi32, #tpu.memory_space<vmem>> -> memref<128xi32, #tpu.memory_space<vmem>>
    %dma_start3A_18 = arith.constant 0 : i32
    %dma_start3A_19 = arith.constant 0 : i32
    %dma_start3A_20 = tpu.memref_slice %arg4[%dma_start3A_18, %dma_start3A_19] : memref<100000x128xf32, #tpu.memory_space<hbm>> -> memref<100000x128xf32, #tpu.memory_space<hbm>>
    tpu.enqueue_indirect_dma source(%dma_start3A_20 : memref<100000x128xf32, #tpu.memory_space<hbm>>) target(%dma_start3A_14 : memref<128x128xf32, #tpu.memory_space<vmem>>) offsets(%dma_start3A_17 : memref<128xi32, #tpu.memory_space<vmem>>) semaphore(%arg10 : memref<!tpu.dma_semaphore, #tpu.memory_space<semaphore_mem>>)
    %dma_start3A_21 = arith.constant 1 : i32
    %dma_start3A_22 = arith.constant 128 : i32
    %dma_start3A_23 = arith.constant 0 : i32
    %dma_start3A_24 = tpu.memref_slice %arg8[%dma_start3A_22, %dma_start3A_23] : memref<512x128xf32, #tpu.memory_space<vmem>> -> memref<128x128xf32, #tpu.memory_space<vmem>>
    %dma_start3A_25 = arith.constant 0 : i32
    %dma_start3A_26 = tpu.memref_slice %arg7[%dma_start3A_21, %dma_start3A_25] : memref<4x128xi32, #tpu.memory_space<vmem>> -> memref<1x128xi32, #tpu.memory_space<vmem>>
    %dma_start3A_27 = tpu.memref_squeeze %dma_start3A_26 : memref<1x128xi32, #tpu.memory_space<vmem>> -> memref<128xi32, #tpu.memory_space<vmem>>
    %dma_start3A_28 = arith.constant 0 : i32
    %dma_start3A_29 = arith.constant 0 : i32
    %dma_start3A_30 = tpu.memref_slice %arg4[%dma_start3A_28, %dma_start3A_29] : memref<100000x128xf32, #tpu.memory_space<hbm>> -> memref<100000x128xf32, #tpu.memory_space<hbm>>
    tpu.enqueue_indirect_dma source(%dma_start3A_30 : memref<100000x128xf32, #tpu.memory_space<hbm>>) target(%dma_start3A_24 : memref<128x128xf32, #tpu.memory_space<vmem>>) offsets(%dma_start3A_27 : memref<128xi32, #tpu.memory_space<vmem>>) semaphore(%arg11 : memref<!tpu.dma_semaphore, #tpu.memory_space<semaphore_mem>>)
    %dma_start3A_31 = arith.constant 2 : i32
    %dma_start3A_32 = arith.constant 256 : i32
    %dma_start3A_33 = arith.constant 0 : i32
    %dma_start3A_34 = tpu.memref_slice %arg8[%dma_start3A_32, %dma_start3A_33] : memref<512x128xf32, #tpu.memory_space<vmem>> -> memref<128x128xf32, #tpu.memory_space<vmem>>
    %dma_start3A_35 = arith.constant 0 : i32
    %dma_start3A_36 = tpu.memref_slice %arg7[%dma_start3A_31, %dma_start3A_35] : memref<4x128xi32, #tpu.memory_space<vmem>> -> memref<1x128xi32, #tpu.memory_space<vmem>>
    %dma_start3A_37 = tpu.memref_squeeze %dma_start3A_36 : memref<1x128xi32, #tpu.memory_space<vmem>> -> memref<128xi32, #tpu.memory_space<vmem>>
    %dma_start3A_38 = arith.constant 0 : i32
    %dma_start3A_39 = arith.constant 0 : i32
    %dma_start3A_40 = tpu.memref_slice %arg4[%dma_start3A_38, %dma_start3A_39] : memref<100000x128xf32, #tpu.memory_space<hbm>> -> memref<100000x128xf32, #tpu.memory_space<hbm>>
    tpu.enqueue_indirect_dma source(%dma_start3A_40 : memref<100000x128xf32, #tpu.memory_space<hbm>>) target(%dma_start3A_34 : memref<128x128xf32, #tpu.memory_space<vmem>>) offsets(%dma_start3A_37 : memref<128xi32, #tpu.memory_space<vmem>>) semaphore(%arg12 : memref<!tpu.dma_semaphore, #tpu.memory_space<semaphore_mem>>)
    %dma_start3A_41 = arith.constant 3 : i32
    %dma_start3A_42 = arith.constant 384 : i32
    %dma_start3A_43 = arith.constant 0 : i32
    %dma_start3A_44 = tpu.memref_slice %arg8[%dma_start3A_42, %dma_start3A_43] : memref<512x128xf32, #tpu.memory_space<vmem>> -> memref<128x128xf32, #tpu.memory_space<vmem>>
    %dma_start3A_45 = arith.constant 0 : i32
    %dma_start3A_46 = tpu.memref_slice %arg7[%dma_start3A_41, %dma_start3A_45] : memref<4x128xi32, #tpu.memory_space<vmem>> -> memref<1x128xi32, #tpu.memory_space<vmem>>
    %dma_start3A_47 = tpu.memref_squeeze %dma_start3A_46 : memref<1x128xi32, #tpu.memory_space<vmem>> -> memref<128xi32, #tpu.memory_space<vmem>>
    %dma_start3A_48 = arith.constant 0 : i32
    %dma_start3A_49 = arith.constant 0 : i32
    %dma_start3A_50 = tpu.memref_slice %arg4[%dma_start3A_48, %dma_start3A_49] : memref<100000x128xf32, #tpu.memory_space<hbm>> -> memref<100000x128xf32, #tpu.memory_space<hbm>>
    tpu.enqueue_indirect_dma source(%dma_start3A_50 : memref<100000x128xf32, #tpu.memory_space<hbm>>) target(%dma_start3A_44 : memref<128x128xf32, #tpu.memory_space<vmem>>) offsets(%dma_start3A_47 : memref<128xi32, #tpu.memory_space<vmem>>) semaphore(%arg13 : memref<!tpu.dma_semaphore, #tpu.memory_space<semaphore_mem>>)
    tpu.wait_dma2 semaphore(%arg15 : memref<!tpu.dma_semaphore, #tpu.memory_space<semaphore_mem>>) src(%arg2 : memref<128xf32, #tpu.memory_space<hbm>>) dst(%arg9 : memref<128xf32, #tpu.memory_space<vmem>>)
    %get3A = arith.constant 0 : index
    %get3A_51 = tpu.vector_load %arg9[%get3A] {strides = array<i32>} : memref<128xf32, #tpu.memory_space<vmem>>, vector<16xf32>,
    %get3A_52 = vector.shape_cast %get3A_51 : vector<16xf32> to vector<16xf32>
    %mul3A_53 = arith.constant 1.000000e-01 : f32
    %mul3A_54 = vector.broadcast %mul3A_53 : f32 to vector<16xf32>
    %mul3A_55 = arith.mulf %get3A_52, %mul3A_54 : vector<16xf32>
    %get3A_56 = arith.constant 16 : index
    %get3A_57 = tpu.vector_load %arg9[%get3A_56] {strides = array<i32>} : memref<128xf32, #tpu.memory_space<vmem>>, vector<16xf32>,
    %get3A_58 = vector.shape_cast %get3A_57 : vector<16xf32> to vector<16xf32>
    %mul3A_59 = arith.constant 1.000000e-01 : f32
    %mul3A_60 = vector.broadcast %mul3A_59 : f32 to vector<16xf32>
    %mul3A_61 = arith.mulf %get3A_58, %mul3A_60 : vector<16xf32>
    %get3A_62 = arith.constant 32 : index
    %get3A_63 = tpu.vector_load %arg9[%get3A_62] {strides = array<i32>} : memref<128xf32, #tpu.memory_space<vmem>>, vector<16xf32>,
    %get3A_64 = vector.shape_cast %get3A_63 : vector<16xf32> to vector<16xf32>
    %mul3A_65 = arith.constant 1.000000e-01 : f32
    %mul3A_66 = vector.broadcast %mul3A_65 : f32 to vector<16xf32>
    %mul3A_67 = arith.mulf %get3A_64, %mul3A_66 : vector<16xf32>
    %get3A_68 = arith.constant 48 : index
    %get3A_69 = tpu.vector_load %arg9[%get3A_68] {strides = array<i32>} : memref<128xf32, #tpu.memory_space<vmem>>, vector<16xf32>,
    %get3A_70 = vector.shape_cast %get3A_69 : vector<16xf32> to vector<16xf32>
    %mul3A_71 = arith.constant 1.000000e-01 : f32
    %mul3A_72 = vector.broadcast %mul3A_71 : f32 to vector<16xf32>
    %mul3A_73 = arith.mulf %get3A_70, %mul3A_72 : vector<16xf32>
    %get3A_74 = arith.constant 64 : index
    %get3A_75 = tpu.vector_load %arg9[%get3A_74] {strides = array<i32>} : memref<128xf32, #tpu.memory_space<vmem>>, vector<16xf32>,
    %get3A_76 = vector.shape_cast %get3A_75 : vector<16xf32> to vector<16xf32>
    %mul3A_77 = arith.constant 1.000000e-01 : f32
    %mul3A_78 = vector.broadcast %mul3A_77 : f32 to vector<16xf32>
    %mul3A_79 = arith.mulf %get3A_76, %mul3A_78 : vector<16xf32>
    %get3A_80 = arith.constant 80 : index
    %get3A_81 = tpu.vector_load %arg9[%get3A_80] {strides = array<i32>} : memref<128xf32, #tpu.memory_space<vmem>>, vector<16xf32>,
    %get3A_82 = vector.shape_cast %get3A_81 : vector<16xf32> to vector<16xf32>
    %mul3A_83 = arith.constant 1.000000e-01 : f32
    %mul3A_84 = vector.broadcast %mul3A_83 : f32 to vector<16xf32>
    %mul3A_85 = arith.mulf %get3A_82, %mul3A_84 : vector<16xf32>
    %get3A_86 = arith.constant 96 : index
    %get3A_87 = tpu.vector_load %arg9[%get3A_86] {strides = array<i32>} : memref<128xf32, #tpu.memory_space<vmem>>, vector<16xf32>,
    %get3A_88 = vector.shape_cast %get3A_87 : vector<16xf32> to vector<16xf32>
    %mul3A_89 = arith.constant 1.000000e-01 : f32
    %mul3A_90 = vector.broadcast %mul3A_89 : f32 to vector<16xf32>
    %mul3A_91 = arith.mulf %get3A_88, %mul3A_90 : vector<16xf32>
    %get3A_92 = arith.constant 112 : index
    %get3A_93 = tpu.vector_load %arg9[%get3A_92] {strides = array<i32>} : memref<128xf32, #tpu.memory_space<vmem>>, vector<16xf32>,
    %get3A_94 = vector.shape_cast %get3A_93 : vector<16xf32> to vector<16xf32>
    %mul3A_95 = arith.constant 1.000000e-01 : f32
    %mul3A_96 = vector.broadcast %mul3A_95 : f32 to vector<16xf32>
    %mul3A_97 = arith.mulf %get3A_94, %mul3A_96 : vector<16xf32>
    %dma_wait3A_98 = arith.constant 0 : i32
    %dma_wait3A_99 = arith.constant 0 : i32
    %dma_wait3A_100 = arith.constant 0 : i32
    %dma_wait3A_101 = tpu.memref_slice %arg8[%dma_wait3A_99, %dma_wait3A_100] : memref<512x128xf32, #tpu.memory_space<vmem>> -> memref<128x128xf32, #tpu.memory_space<vmem>>
    %dma_wait3A_102 = arith.constant 0 : i32
    %dma_wait3A_103 = tpu.memref_slice %arg7[%dma_wait3A_98, %dma_wait3A_102] : memref<4x128xi32, #tpu.memory_space<vmem>> -> memref<1x128xi32, #tpu.memory_space<vmem>>
    %dma_wait3A_104 = tpu.memref_squeeze %dma_wait3A_103 : memref<1x128xi32, #tpu.memory_space<vmem>> -> memref<128xi32, #tpu.memory_space<vmem>>
    %dma_wait3A_105 = arith.constant 0 : i32
    %dma_wait3A_106 = arith.constant 0 : i32
    %dma_wait3A_107 = tpu.memref_slice %arg4[%dma_wait3A_105, %dma_wait3A_106] : memref<100000x128xf32, #tpu.memory_space<hbm>> -> memref<100000x128xf32, #tpu.memory_space<hbm>>
    tpu.wait_indirect_dma semaphore(%arg10 : memref<!tpu.dma_semaphore, #tpu.memory_space<semaphore_mem>>) src(%dma_wait3A_107 : memref<100000x128xf32, #tpu.memory_space<hbm>>) dst(%dma_wait3A_101 : memref<128x128xf32, #tpu.memory_space<vmem>>)
    %parallel_loop3A = arith.constant 0 : i32
    %parallel_loop3A_108 = arith.constant 128 : i32
    %parallel_loop3A_109 = arith.constant 1 : i32
    scf.for %parallel_loop3A_229 = %parallel_loop3A to %parallel_loop3A_108 step %parallel_loop3A_109  : i32 {
      %parallel_loop3A_230 = arith.index_cast %parallel_loop3A_229 : i32 to index
      %parallel_loop3A_231 = arith.constant 0 : index
      %parallel_loop3A_232 = tpu.vector_load %arg8[%parallel_loop3A_230, %parallel_loop3A_231] {strides = array<i32>} : memref<512x128xf32, #tpu.memory_space<vmem>>, vector<1x16xf32>,
      %parallel_loop3A_233 = vector.shape_cast %parallel_loop3A_232 : vector<1x16xf32> to vector<16xf32>
      %parallel_loop3A_234 = arith.constant 0.899999976 : f32
      %parallel_loop3A_235 = vector.broadcast %parallel_loop3A_234 : f32 to vector<16xf32>
      %parallel_loop3A_236 = arith.mulf %parallel_loop3A_233, %parallel_loop3A_235 : vector<16xf32>
      %parallel_loop3A_237 = arith.addf %parallel_loop3A_236, %mul3A_55 : vector<16xf32>
      %parallel_loop3A_238 = arith.index_cast %parallel_loop3A_229 : i32 to index
      %parallel_loop3A_239 = arith.constant 0 : index
      %parallel_loop3A_240 = tpu.vector_load %arg8[%parallel_loop3A_238, %parallel_loop3A_239] {strides = array<i32>} : memref<512x128xf32, #tpu.memory_space<vmem>>, vector<1x16xf32>,
      %parallel_loop3A_241 = vector.shape_cast %parallel_loop3A_240 : vector<1x16xf32> to vector<16xf32>
      %parallel_loop3A_242 = vector.shape_cast %parallel_loop3A_237 : vector<16xf32> to vector<1x16xf32>
      tpu.vector_store %arg8[%parallel_loop3A_238, %parallel_loop3A_239], %parallel_loop3A_242 {strides = array<i32>} : memref<512x128xf32, #tpu.memory_space<vmem>>, vector<1x16xf32>,
      %parallel_loop3A_243 = arith.index_cast %parallel_loop3A_229 : i32 to index
      %parallel_loop3A_244 = arith.constant 16 : index
      %parallel_loop3A_245 = tpu.vector_load %arg8[%parallel_loop3A_243, %parallel_loop3A_244] {strides = array<i32>} : memref<512x128xf32, #tpu.memory_space<vmem>>, vector<1x16xf32>,
      %parallel_loop3A_246 = vector.shape_cast %parallel_loop3A_245 : vector<1x16xf32> to vector<16xf32>
      %parallel_loop3A_247 = arith.constant 0.899999976 : f32
      %parallel_loop3A_248 = vector.broadcast %parallel_loop3A_247 : f32 to vector<16xf32>
      %parallel_loop3A_249 = arith.mulf %parallel_loop3A_246, %parallel_loop3A_248 : vector<16xf32>
      %parallel_loop3A_250 = arith.addf %parallel_loop3A_249, %mul3A_61 : vector<16xf32>
      %parallel_loop3A_251 = arith.index_cast %parallel_loop3A_229 : i32 to index
      %parallel_loop3A_252 = arith.constant 16 : index
      %parallel_loop3A_253 = tpu.vector_load %arg8[%parallel_loop3A_251, %parallel_loop3A_252] {strides = array<i32>} : memref<512x128xf32, #tpu.memory_space<vmem>>, vector<1x16xf32>,
      %parallel_loop3A_254 = vector.shape_cast %parallel_loop3A_253 : vector<1x16xf32> to vector<16xf32>
      %parallel_loop3A_255 = vector.shape_cast %parallel_loop3A_250 : vector<16xf32> to vector<1x16xf32>
      tpu.vector_store %arg8[%parallel_loop3A_251, %parallel_loop3A_252], %parallel_loop3A_255 {strides = array<i32>} : memref<512x128xf32, #tpu.memory_space<vmem>>, vector<1x16xf32>,
      %parallel_loop3A_256 = arith.index_cast %parallel_loop3A_229 : i32 to index
      %parallel_loop3A_257 = arith.constant 32 : index
      %parallel_loop3A_258 = tpu.vector_load %arg8[%parallel_loop3A_256, %parallel_loop3A_257] {strides = array<i32>} : memref<512x128xf32, #tpu.memory_space<vmem>>, vector<1x16xf32>,
      %parallel_loop3A_259 = vector.shape_cast %parallel_loop3A_258 : vector<1x16xf32> to vector<16xf32>
      %parallel_loop3A_260 = arith.constant 0.899999976 : f32
      %parallel_loop3A_261 = vector.broadcast %parallel_loop3A_260 : f32 to vector<16xf32>
      %parallel_loop3A_262 = arith.mulf %parallel_loop3A_259, %parallel_loop3A_261 : vector<16xf32>
      %parallel_loop3A_263 = arith.addf %parallel_loop3A_262, %mul3A_67 : vector<16xf32>
      %parallel_loop3A_264 = arith.index_cast %parallel_loop3A_229 : i32 to index
      %parallel_loop3A_265 = arith.constant 32 : index
      %parallel_loop3A_266 = tpu.vector_load %arg8[%parallel_loop3A_264, %parallel_loop3A_265] {strides = array<i32>} : memref<512x128xf32, #tpu.memory_space<vmem>>, vector<1x16xf32>,
      %parallel_loop3A_267 = vector.shape_cast %parallel_loop3A_266 : vector<1x16xf32> to vector<16xf32>
      %parallel_loop3A_268 = vector.shape_cast %parallel_loop3A_263 : vector<16xf32> to vector<1x16xf32>
      tpu.vector_store %arg8[%parallel_loop3A_264, %parallel_loop3A_265], %parallel_loop3A_268 {strides = array<i32>} : memref<512x128xf32, #tpu.memory_space<vmem>>, vector<1x16xf32>,
      %parallel_loop3A_269 = arith.index_cast %parallel_loop3A_229 : i32 to index
      %parallel_loop3A_270 = arith.constant 48 : index
      %parallel_loop3A_271 = tpu.vector_load %arg8[%parallel_loop3A_269, %parallel_loop3A_270] {strides = array<i32>} : memref<512x128xf32, #tpu.memory_space<vmem>>, vector<1x16xf32>,
      %parallel_loop3A_272 = vector.shape_cast %parallel_loop3A_271 : vector<1x16xf32> to vector<16xf32>
      %parallel_loop3A_273 = arith.constant 0.899999976 : f32
      %parallel_loop3A_274 = vector.broadcast %parallel_loop3A_273 : f32 to vector<16xf32>
      %parallel_loop3A_275 = arith.mulf %parallel_loop3A_272, %parallel_loop3A_274 : vector<16xf32>
      %parallel_loop3A_276 = arith.addf %parallel_loop3A_275, %mul3A_73 : vector<16xf32>
      %parallel_loop3A_277 = arith.index_cast %parallel_loop3A_229 : i32 to index
      %parallel_loop3A_278 = arith.constant 48 : index
      %parallel_loop3A_279 = tpu.vector_load %arg8[%parallel_loop3A_277, %parallel_loop3A_278] {strides = array<i32>} : memref<512x128xf32, #tpu.memory_space<vmem>>, vector<1x16xf32>,
      %parallel_loop3A_280 = vector.shape_cast %parallel_loop3A_279 : vector<1x16xf32> to vector<16xf32>
      %parallel_loop3A_281 = vector.shape_cast %parallel_loop3A_276 : vector<16xf32> to vector<1x16xf32>
      tpu.vector_store %arg8[%parallel_loop3A_277, %parallel_loop3A_278], %parallel_loop3A_281 {strides = array<i32>} : memref<512x128xf32, #tpu.memory_space<vmem>>, vector<1x16xf32>,
      %parallel_loop3A_282 = arith.index_cast %parallel_loop3A_229 : i32 to index
      %parallel_loop3A_283 = arith.constant 64 : index
      %parallel_loop3A_284 = tpu.vector_load %arg8[%parallel_loop3A_282, %parallel_loop3A_283] {strides = array<i32>} : memref<512x128xf32, #tpu.memory_space<vmem>>, vector<1x16xf32>,
      %parallel_loop3A_285 = vector.shape_cast %parallel_loop3A_284 : vector<1x16xf32> to vector<16xf32>
      %parallel_loop3A_286 = arith.constant 0.899999976 : f32
      %parallel_loop3A_287 = vector.broadcast %parallel_loop3A_286 : f32 to vector<16xf32>
      %parallel_loop3A_288 = arith.mulf %parallel_loop3A_285, %parallel_loop3A_287 : vector<16xf32>
      %parallel_loop3A_289 = arith.addf %parallel_loop3A_288, %mul3A_79 : vector<16xf32>
      %parallel_loop3A_290 = arith.index_cast %parallel_loop3A_229 : i32 to index
      %parallel_loop3A_291 = arith.constant 64 : index
      %parallel_loop3A_292 = tpu.vector_load %arg8[%parallel_loop3A_290, %parallel_loop3A_291] {strides = array<i32>} : memref<512x128xf32, #tpu.memory_space<vmem>>, vector<1x16xf32>,
      %parallel_loop3A_293 = vector.shape_cast %parallel_loop3A_292 : vector<1x16xf32> to vector<16xf32>
      %parallel_loop3A_294 = vector.shape_cast %parallel_loop3A_289 : vector<16xf32> to vector<1x16xf32>
      tpu.vector_store %arg8[%parallel_loop3A_290, %parallel_loop3A_291], %parallel_loop3A_294 {strides = array<i32>} : memref<512x128xf32, #tpu.memory_space<vmem>>, vector<1x16xf32>,
      %parallel_loop3A_295 = arith.index_cast %parallel_loop3A_229 : i32 to index
      %parallel_loop3A_296 = arith.constant 80 : index
      %parallel_loop3A_297 = tpu.vector_load %arg8[%parallel_loop3A_295, %parallel_loop3A_296] {strides = array<i32>} : memref<512x128xf32, #tpu.memory_space<vmem>>, vector<1x16xf32>,
      %parallel_loop3A_298 = vector.shape_cast %parallel_loop3A_297 : vector<1x16xf32> to vector<16xf32>
      %parallel_loop3A_299 = arith.constant 0.899999976 : f32
      %parallel_loop3A_300 = vector.broadcast %parallel_loop3A_299 : f32 to vector<16xf32>
      %parallel_loop3A_301 = arith.mulf %parallel_loop3A_298, %parallel_loop3A_300 : vector<16xf32>
      %parallel_loop3A_302 = arith.addf %parallel_loop3A_301, %mul3A_85 : vector<16xf32>
      %parallel_loop3A_303 = arith.index_cast %parallel_loop3A_229 : i32 to index
      %parallel_loop3A_304 = arith.constant 80 : index
      %parallel_loop3A_305 = tpu.vector_load %arg8[%parallel_loop3A_303, %parallel_loop3A_304] {strides = array<i32>} : memref<512x128xf32, #tpu.memory_space<vmem>>, vector<1x16xf32>,
      %parallel_loop3A_306 = vector.shape_cast %parallel_loop3A_305 : vector<1x16xf32> to vector<16xf32>
      %parallel_loop3A_307 = vector.shape_cast %parallel_loop3A_302 : vector<16xf32> to vector<1x16xf32>
      tpu.vector_store %arg8[%parallel_loop3A_303, %parallel_loop3A_304], %parallel_loop3A_307 {strides = array<i32>} : memref<512x128xf32, #tpu.memory_space<vmem>>, vector<1x16xf32>,
      %parallel_loop3A_308 = arith.index_cast %parallel_loop3A_229 : i32 to index
      %parallel_loop3A_309 = arith.constant 96 : index
      %parallel_loop3A_310 = tpu.vector_load %arg8[%parallel_loop3A_308, %parallel_loop3A_309] {strides = array<i32>} : memref<512x128xf32, #tpu.memory_space<vmem>>, vector<1x16xf32>,
      %parallel_loop3A_311 = vector.shape_cast %parallel_loop3A_310 : vector<1x16xf32> to vector<16xf32>
      %parallel_loop3A_312 = arith.constant 0.899999976 : f32
      %parallel_loop3A_313 = vector.broadcast %parallel_loop3A_312 : f32 to vector<16xf32>
      %parallel_loop3A_314 = arith.mulf %parallel_loop3A_311, %parallel_loop3A_313 : vector<16xf32>
      %parallel_loop3A_315 = arith.addf %parallel_loop3A_314, %mul3A_91 : vector<16xf32>
      %parallel_loop3A_316 = arith.index_cast %parallel_loop3A_229 : i32 to index
      %parallel_loop3A_317 = arith.constant 96 : index
      %parallel_loop3A_318 = tpu.vector_load %arg8[%parallel_loop3A_316, %parallel_loop3A_317] {strides = array<i32>} : memref<512x128xf32, #tpu.memory_space<vmem>>, vector<1x16xf32>,
      %parallel_loop3A_319 = vector.shape_cast %parallel_loop3A_318 : vector<1x16xf32> to vector<16xf32>
      %parallel_loop3A_320 = vector.shape_cast %parallel_loop3A_315 : vector<16xf32> to vector<1x16xf32>
      tpu.vector_store %arg8[%parallel_loop3A_316, %parallel_loop3A_317], %parallel_loop3A_320 {strides = array<i32>} : memref<512x128xf32, #tpu.memory_space<vmem>>, vector<1x16xf32>,
      %parallel_loop3A_321 = arith.index_cast %parallel_loop3A_229 : i32 to index
      %parallel_loop3A_322 = arith.constant 112 : index
      %parallel_loop3A_323 = tpu.vector_load %arg8[%parallel_loop3A_321, %parallel_loop3A_322] {strides = array<i32>} : memref<512x128xf32, #tpu.memory_space<vmem>>, vector<1x16xf32>,
      %parallel_loop3A_324 = vector.shape_cast %parallel_loop3A_323 : vector<1x16xf32> to vector<16xf32>
      %parallel_loop3A_325 = arith.constant 0.899999976 : f32
      %parallel_loop3A_326 = vector.broadcast %parallel_loop3A_325 : f32 to vector<16xf32>
      %parallel_loop3A_327 = arith.mulf %parallel_loop3A_324, %parallel_loop3A_326 : vector<16xf32>
      %parallel_loop3A_328 = arith.addf %parallel_loop3A_327, %mul3A_97 : vector<16xf32>
      %parallel_loop3A_329 = arith.index_cast %parallel_loop3A_229 : i32 to index
      %parallel_loop3A_330 = arith.constant 112 : index
      %parallel_loop3A_331 = tpu.vector_load %arg8[%parallel_loop3A_329, %parallel_loop3A_330] {strides = array<i32>} : memref<512x128xf32, #tpu.memory_space<vmem>>, vector<1x16xf32>,
      %parallel_loop3A_332 = vector.shape_cast %parallel_loop3A_331 : vector<1x16xf32> to vector<16xf32>
      %parallel_loop3A_333 = vector.shape_cast %parallel_loop3A_328 : vector<16xf32> to vector<1x16xf32>
      tpu.vector_store %arg8[%parallel_loop3A_329, %parallel_loop3A_330], %parallel_loop3A_333 {strides = array<i32>} : memref<512x128xf32, #tpu.memory_space<vmem>>, vector<1x16xf32>,
    } {sc.loop_unroll_factor = 8 : i64, sc.parallel_access}
    %dma_start3A_110 = arith.constant 0 : i32
    %dma_start3A_111 = arith.constant 0 : i32
    %dma_start3A_112 = arith.constant 0 : i32
    %dma_start3A_113 = tpu.memref_slice %arg8[%dma_start3A_111, %dma_start3A_112] : memref<512x128xf32, #tpu.memory_space<vmem>> -> memref<128x128xf32, #tpu.memory_space<vmem>>
    %dma_start3A_114 = arith.constant 0 : i32
    %dma_start3A_115 = tpu.memref_slice %arg7[%dma_start3A_110, %dma_start3A_114] : memref<4x128xi32, #tpu.memory_space<vmem>> -> memref<1x128xi32, #tpu.memory_space<vmem>>
    %dma_start3A_116 = tpu.memref_squeeze %dma_start3A_115 : memref<1x128xi32, #tpu.memory_space<vmem>> -> memref<128xi32, #tpu.memory_space<vmem>>
    %dma_start3A_117 = arith.constant 0 : i32
    %dma_start3A_118 = arith.constant 0 : i32
    %dma_start3A_119 = tpu.memref_slice %arg5[%dma_start3A_117, %dma_start3A_118] : memref<100000x128xf32, #tpu.memory_space<hbm>> -> memref<100000x128xf32, #tpu.memory_space<hbm>>
    tpu.enqueue_indirect_dma source(%dma_start3A_113 : memref<128x128xf32, #tpu.memory_space<vmem>>) target(%dma_start3A_119 : memref<100000x128xf32, #tpu.memory_space<hbm>>) offsets(%dma_start3A_116 : memref<128xi32, #tpu.memory_space<vmem>>) semaphore(%arg16 : memref<!tpu.dma_semaphore, #tpu.memory_space<semaphore_mem>>)
    %dma_wait3A_120 = arith.constant 1 : i32
    %dma_wait3A_121 = arith.constant 128 : i32
    %dma_wait3A_122 = arith.constant 0 : i32
    %dma_wait3A_123 = tpu.memref_slice %arg8[%dma_wait3A_121, %dma_wait3A_122] : memref<512x128xf32, #tpu.memory_space<vmem>> -> memref<128x128xf32, #tpu.memory_space<vmem>>
    %dma_wait3A_124 = arith.constant 0 : i32
    %dma_wait3A_125 = tpu.memref_slice %arg7[%dma_wait3A_120, %dma_wait3A_124] : memref<4x128xi32, #tpu.memory_space<vmem>> -> memref<1x128xi32, #tpu.memory_space<vmem>>
    %dma_wait3A_126 = tpu.memref_squeeze %dma_wait3A_125 : memref<1x128xi32, #tpu.memory_space<vmem>> -> memref<128xi32, #tpu.memory_space<vmem>>
    %dma_wait3A_127 = arith.constant 0 : i32
    %dma_wait3A_128 = arith.constant 0 : i32
    %dma_wait3A_129 = tpu.memref_slice %arg4[%dma_wait3A_127, %dma_wait3A_128] : memref<100000x128xf32, #tpu.memory_space<hbm>> -> memref<100000x128xf32, #tpu.memory_space<hbm>>
    tpu.wait_indirect_dma semaphore(%arg11 : memref<!tpu.dma_semaphore, #tpu.memory_space<semaphore_mem>>) src(%dma_wait3A_129 : memref<100000x128xf32, #tpu.memory_space<hbm>>) dst(%dma_wait3A_123 : memref<128x128xf32, #tpu.memory_space<vmem>>)
    %parallel_loop3A_130 = arith.constant 128 : i32
    %parallel_loop3A_131 = arith.constant 256 : i32
    %parallel_loop3A_132 = arith.constant 1 : i32
    scf.for %parallel_loop3A_229 = %parallel_loop3A_130 to %parallel_loop3A_131 step %parallel_loop3A_132  : i32 {
      %parallel_loop3A_230 = arith.index_cast %parallel_loop3A_229 : i32 to index
      %parallel_loop3A_231 = arith.constant 0 : index
      %parallel_loop3A_232 = tpu.vector_load %arg8[%parallel_loop3A_230, %parallel_loop3A_231] {strides = array<i32>} : memref<512x128xf32, #tpu.memory_space<vmem>>, vector<1x16xf32>,
      %parallel_loop3A_233 = vector.shape_cast %parallel_loop3A_232 : vector<1x16xf32> to vector<16xf32>
      %parallel_loop3A_234 = arith.constant 0.899999976 : f32
      %parallel_loop3A_235 = vector.broadcast %parallel_loop3A_234 : f32 to vector<16xf32>
      %parallel_loop3A_236 = arith.mulf %parallel_loop3A_233, %parallel_loop3A_235 : vector<16xf32>
      %parallel_loop3A_237 = arith.addf %parallel_loop3A_236, %mul3A_55 : vector<16xf32>
      %parallel_loop3A_238 = arith.index_cast %parallel_loop3A_229 : i32 to index
      %parallel_loop3A_239 = arith.constant 0 : index
      %parallel_loop3A_240 = tpu.vector_load %arg8[%parallel_loop3A_238, %parallel_loop3A_239] {strides = array<i32>} : memref<512x128xf32, #tpu.memory_space<vmem>>, vector<1x16xf32>,
      %parallel_loop3A_241 = vector.shape_cast %parallel_loop3A_240 : vector<1x16xf32> to vector<16xf32>
      %parallel_loop3A_242 = vector.shape_cast %parallel_loop3A_237 : vector<16xf32> to vector<1x16xf32>
      tpu.vector_store %arg8[%parallel_loop3A_238, %parallel_loop3A_239], %parallel_loop3A_242 {strides = array<i32>} : memref<512x128xf32, #tpu.memory_space<vmem>>, vector<1x16xf32>,
      %parallel_loop3A_243 = arith.index_cast %parallel_loop3A_229 : i32 to index
      %parallel_loop3A_244 = arith.constant 16 : index
      %parallel_loop3A_245 = tpu.vector_load %arg8[%parallel_loop3A_243, %parallel_loop3A_244] {strides = array<i32>} : memref<512x128xf32, #tpu.memory_space<vmem>>, vector<1x16xf32>,
      %parallel_loop3A_246 = vector.shape_cast %parallel_loop3A_245 : vector<1x16xf32> to vector<16xf32>
      %parallel_loop3A_247 = arith.constant 0.899999976 : f32
      %parallel_loop3A_248 = vector.broadcast %parallel_loop3A_247 : f32 to vector<16xf32>
      %parallel_loop3A_249 = arith.mulf %parallel_loop3A_246, %parallel_loop3A_248 : vector<16xf32>
      %parallel_loop3A_250 = arith.addf %parallel_loop3A_249, %mul3A_61 : vector<16xf32>
      %parallel_loop3A_251 = arith.index_cast %parallel_loop3A_229 : i32 to index
      %parallel_loop3A_252 = arith.constant 16 : index
      %parallel_loop3A_253 = tpu.vector_load %arg8[%parallel_loop3A_251, %parallel_loop3A_252] {strides = array<i32>} : memref<512x128xf32, #tpu.memory_space<vmem>>, vector<1x16xf32>,
      %parallel_loop3A_254 = vector.shape_cast %parallel_loop3A_253 : vector<1x16xf32> to vector<16xf32>
      %parallel_loop3A_255 = vector.shape_cast %parallel_loop3A_250 : vector<16xf32> to vector<1x16xf32>
      tpu.vector_store %arg8[%parallel_loop3A_251, %parallel_loop3A_252], %parallel_loop3A_255 {strides = array<i32>} : memref<512x128xf32, #tpu.memory_space<vmem>>, vector<1x16xf32>,
      %parallel_loop3A_256 = arith.index_cast %parallel_loop3A_229 : i32 to index
      %parallel_loop3A_257 = arith.constant 32 : index
      %parallel_loop3A_258 = tpu.vector_load %arg8[%parallel_loop3A_256, %parallel_loop3A_257] {strides = array<i32>} : memref<512x128xf32, #tpu.memory_space<vmem>>, vector<1x16xf32>,
      %parallel_loop3A_259 = vector.shape_cast %parallel_loop3A_258 : vector<1x16xf32> to vector<16xf32>
      %parallel_loop3A_260 = arith.constant 0.899999976 : f32
      %parallel_loop3A_261 = vector.broadcast %parallel_loop3A_260 : f32 to vector<16xf32>
      %parallel_loop3A_262 = arith.mulf %parallel_loop3A_259, %parallel_loop3A_261 : vector<16xf32>
      %parallel_loop3A_263 = arith.addf %parallel_loop3A_262, %mul3A_67 : vector<16xf32>
      %parallel_loop3A_264 = arith.index_cast %parallel_loop3A_229 : i32 to index
      %parallel_loop3A_265 = arith.constant 32 : index
      %parallel_loop3A_266 = tpu.vector_load %arg8[%parallel_loop3A_264, %parallel_loop3A_265] {strides = array<i32>} : memref<512x128xf32, #tpu.memory_space<vmem>>, vector<1x16xf32>,
      %parallel_loop3A_267 = vector.shape_cast %parallel_loop3A_266 : vector<1x16xf32> to vector<16xf32>
      %parallel_loop3A_268 = vector.shape_cast %parallel_loop3A_263 : vector<16xf32> to vector<1x16xf32>
      tpu.vector_store %arg8[%parallel_loop3A_264, %parallel_loop3A_265], %parallel_loop3A_268 {strides = array<i32>} : memref<512x128xf32, #tpu.memory_space<vmem>>, vector<1x16xf32>,
      %parallel_loop3A_269 = arith.index_cast %parallel_loop3A_229 : i32 to index
      %parallel_loop3A_270 = arith.constant 48 : index
      %parallel_loop3A_271 = tpu.vector_load %arg8[%parallel_loop3A_269, %parallel_loop3A_270] {strides = array<i32>} : memref<512x128xf32, #tpu.memory_space<vmem>>, vector<1x16xf32>,
      %parallel_loop3A_272 = vector.shape_cast %parallel_loop3A_271 : vector<1x16xf32> to vector<16xf32>
      %parallel_loop3A_273 = arith.constant 0.899999976 : f32
      %parallel_loop3A_274 = vector.broadcast %parallel_loop3A_273 : f32 to vector<16xf32>
      %parallel_loop3A_275 = arith.mulf %parallel_loop3A_272, %parallel_loop3A_274 : vector<16xf32>
      %parallel_loop3A_276 = arith.addf %parallel_loop3A_275, %mul3A_73 : vector<16xf32>
      %parallel_loop3A_277 = arith.index_cast %parallel_loop3A_229 : i32 to index
      %parallel_loop3A_278 = arith.constant 48 : index
      %parallel_loop3A_279 = tpu.vector_load %arg8[%parallel_loop3A_277, %parallel_loop3A_278] {strides = array<i32>} : memref<512x128xf32, #tpu.memory_space<vmem>>, vector<1x16xf32>,
      %parallel_loop3A_280 = vector.shape_cast %parallel_loop3A_279 : vector<1x16xf32> to vector<16xf32>
      %parallel_loop3A_281 = vector.shape_cast %parallel_loop3A_276 : vector<16xf32> to vector<1x16xf32>
      tpu.vector_store %arg8[%parallel_loop3A_277, %parallel_loop3A_278], %parallel_loop3A_281 {strides = array<i32>} : memref<512x128xf32, #tpu.memory_space<vmem>>, vector<1x16xf32>,
      %parallel_loop3A_282 = arith.index_cast %parallel_loop3A_229 : i32 to index
      %parallel_loop3A_283 = arith.constant 64 : index
      %parallel_loop3A_284 = tpu.vector_load %arg8[%parallel_loop3A_282, %parallel_loop3A_283] {strides = array<i32>} : memref<512x128xf32, #tpu.memory_space<vmem>>, vector<1x16xf32>,
      %parallel_loop3A_285 = vector.shape_cast %parallel_loop3A_284 : vector<1x16xf32> to vector<16xf32>
      %parallel_loop3A_286 = arith.constant 0.899999976 : f32
      %parallel_loop3A_287 = vector.broadcast %parallel_loop3A_286 : f32 to vector<16xf32>
      %parallel_loop3A_288 = arith.mulf %parallel_loop3A_285, %parallel_loop3A_287 : vector<16xf32>
      %parallel_loop3A_289 = arith.addf %parallel_loop3A_288, %mul3A_79 : vector<16xf32>
      %parallel_loop3A_290 = arith.index_cast %parallel_loop3A_229 : i32 to index
      %parallel_loop3A_291 = arith.constant 64 : index
      %parallel_loop3A_292 = tpu.vector_load %arg8[%parallel_loop3A_290, %parallel_loop3A_291] {strides = array<i32>} : memref<512x128xf32, #tpu.memory_space<vmem>>, vector<1x16xf32>,
      %parallel_loop3A_293 = vector.shape_cast %parallel_loop3A_292 : vector<1x16xf32> to vector<16xf32>
      %parallel_loop3A_294 = vector.shape_cast %parallel_loop3A_289 : vector<16xf32> to vector<1x16xf32>
      tpu.vector_store %arg8[%parallel_loop3A_290, %parallel_loop3A_291], %parallel_loop3A_294 {strides = array<i32>} : memref<512x128xf32, #tpu.memory_space<vmem>>, vector<1x16xf32>,
      %parallel_loop3A_295 = arith.index_cast %parallel_loop3A_229 : i32 to index
      %parallel_loop3A_296 = arith.constant 80 : index
      %parallel_loop3A_297 = tpu.vector_load %arg8[%parallel_loop3A_295, %parallel_loop3A_296] {strides = array<i32>} : memref<512x128xf32, #tpu.memory_space<vmem>>, vector<1x16xf32>,
      %parallel_loop3A_298 = vector.shape_cast %parallel_loop3A_297 : vector<1x16xf32> to vector<16xf32>
      %parallel_loop3A_299 = arith.constant 0.899999976 : f32
      %parallel_loop3A_300 = vector.broadcast %parallel_loop3A_299 : f32 to vector<16xf32>
      %parallel_loop3A_301 = arith.mulf %parallel_loop3A_298, %parallel_loop3A_300 : vector<16xf32>
      %parallel_loop3A_302 = arith.addf %parallel_loop3A_301, %mul3A_85 : vector<16xf32>
      %parallel_loop3A_303 = arith.index_cast %parallel_loop3A_229 : i32 to index
      %parallel_loop3A_304 = arith.constant 80 : index
      %parallel_loop3A_305 = tpu.vector_load %arg8[%parallel_loop3A_303, %parallel_loop3A_304] {strides = array<i32>} : memref<512x128xf32, #tpu.memory_space<vmem>>, vector<1x16xf32>,
      %parallel_loop3A_306 = vector.shape_cast %parallel_loop3A_305 : vector<1x16xf32> to vector<16xf32>
      %parallel_loop3A_307 = vector.shape_cast %parallel_loop3A_302 : vector<16xf32> to vector<1x16xf32>
      tpu.vector_store %arg8[%parallel_loop3A_303, %parallel_loop3A_304], %parallel_loop3A_307 {strides = array<i32>} : memref<512x128xf32, #tpu.memory_space<vmem>>, vector<1x16xf32>,
      %parallel_loop3A_308 = arith.index_cast %parallel_loop3A_229 : i32 to index
      %parallel_loop3A_309 = arith.constant 96 : index
      %parallel_loop3A_310 = tpu.vector_load %arg8[%parallel_loop3A_308, %parallel_loop3A_309] {strides = array<i32>} : memref<512x128xf32, #tpu.memory_space<vmem>>, vector<1x16xf32>,
      %parallel_loop3A_311 = vector.shape_cast %parallel_loop3A_310 : vector<1x16xf32> to vector<16xf32>
      %parallel_loop3A_312 = arith.constant 0.899999976 : f32
      %parallel_loop3A_313 = vector.broadcast %parallel_loop3A_312 : f32 to vector<16xf32>
      %parallel_loop3A_314 = arith.mulf %parallel_loop3A_311, %parallel_loop3A_313 : vector<16xf32>
      %parallel_loop3A_315 = arith.addf %parallel_loop3A_314, %mul3A_91 : vector<16xf32>
      %parallel_loop3A_316 = arith.index_cast %parallel_loop3A_229 : i32 to index
      %parallel_loop3A_317 = arith.constant 96 : index
      %parallel_loop3A_318 = tpu.vector_load %arg8[%parallel_loop3A_316, %parallel_loop3A_317] {strides = array<i32>} : memref<512x128xf32, #tpu.memory_space<vmem>>, vector<1x16xf32>,
      %parallel_loop3A_319 = vector.shape_cast %parallel_loop3A_318 : vector<1x16xf32> to vector<16xf32>
      %parallel_loop3A_320 = vector.shape_cast %parallel_loop3A_315 : vector<16xf32> to vector<1x16xf32>
      tpu.vector_store %arg8[%parallel_loop3A_316, %parallel_loop3A_317], %parallel_loop3A_320 {strides = array<i32>} : memref<512x128xf32, #tpu.memory_space<vmem>>, vector<1x16xf32>,
      %parallel_loop3A_321 = arith.index_cast %parallel_loop3A_229 : i32 to index
      %parallel_loop3A_322 = arith.constant 112 : index
      %parallel_loop3A_323 = tpu.vector_load %arg8[%parallel_loop3A_321, %parallel_loop3A_322] {strides = array<i32>} : memref<512x128xf32, #tpu.memory_space<vmem>>, vector<1x16xf32>,
      %parallel_loop3A_324 = vector.shape_cast %parallel_loop3A_323 : vector<1x16xf32> to vector<16xf32>
      %parallel_loop3A_325 = arith.constant 0.899999976 : f32
      %parallel_loop3A_326 = vector.broadcast %parallel_loop3A_325 : f32 to vector<16xf32>
      %parallel_loop3A_327 = arith.mulf %parallel_loop3A_324, %parallel_loop3A_326 : vector<16xf32>
      %parallel_loop3A_328 = arith.addf %parallel_loop3A_327, %mul3A_97 : vector<16xf32>
      %parallel_loop3A_329 = arith.index_cast %parallel_loop3A_229 : i32 to index
      %parallel_loop3A_330 = arith.constant 112 : index
      %parallel_loop3A_331 = tpu.vector_load %arg8[%parallel_loop3A_329, %parallel_loop3A_330] {strides = array<i32>} : memref<512x128xf32, #tpu.memory_space<vmem>>, vector<1x16xf32>,
      %parallel_loop3A_332 = vector.shape_cast %parallel_loop3A_331 : vector<1x16xf32> to vector<16xf32>
      %parallel_loop3A_333 = vector.shape_cast %parallel_loop3A_328 : vector<16xf32> to vector<1x16xf32>
      tpu.vector_store %arg8[%parallel_loop3A_329, %parallel_loop3A_330], %parallel_loop3A_333 {strides = array<i32>} : memref<512x128xf32, #tpu.memory_space<vmem>>, vector<1x16xf32>,
    } {sc.loop_unroll_factor = 8 : i64, sc.parallel_access}
    %dma_start3A_133 = arith.constant 1 : i32
    %dma_start3A_134 = arith.constant 128 : i32
    %dma_start3A_135 = arith.constant 0 : i32
    %dma_start3A_136 = tpu.memref_slice %arg8[%dma_start3A_134, %dma_start3A_135] : memref<512x128xf32, #tpu.memory_space<vmem>> -> memref<128x128xf32, #tpu.memory_space<vmem>>
    %dma_start3A_137 = arith.constant 0 : i32
    %dma_start3A_138 = tpu.memref_slice %arg7[%dma_start3A_133, %dma_start3A_137] : memref<4x128xi32, #tpu.memory_space<vmem>> -> memref<1x128xi32, #tpu.memory_space<vmem>>
    %dma_start3A_139 = tpu.memref_squeeze %dma_start3A_138 : memref<1x128xi32, #tpu.memory_space<vmem>> -> memref<128xi32, #tpu.memory_space<vmem>>
    %dma_start3A_140 = arith.constant 0 : i32
    %dma_start3A_141 = arith.constant 0 : i32
    %dma_start3A_142 = tpu.memref_slice %arg5[%dma_start3A_140, %dma_start3A_141] : memref<100000x128xf32, #tpu.memory_space<hbm>> -> memref<100000x128xf32, #tpu.memory_space<hbm>>
    tpu.enqueue_indirect_dma source(%dma_start3A_136 : memref<128x128xf32, #tpu.memory_space<vmem>>) target(%dma_start3A_142 : memref<100000x128xf32, #tpu.memory_space<hbm>>) offsets(%dma_start3A_139 : memref<128xi32, #tpu.memory_space<vmem>>) semaphore(%arg16 : memref<!tpu.dma_semaphore, #tpu.memory_space<semaphore_mem>>)
    %dma_wait3A_143 = arith.constant 2 : i32
    %dma_wait3A_144 = arith.constant 256 : i32
    %dma_wait3A_145 = arith.constant 0 : i32
    %dma_wait3A_146 = tpu.memref_slice %arg8[%dma_wait3A_144, %dma_wait3A_145] : memref<512x128xf32, #tpu.memory_space<vmem>> -> memref<128x128xf32, #tpu.memory_space<vmem>>
    %dma_wait3A_147 = arith.constant 0 : i32
    %dma_wait3A_148 = tpu.memref_slice %arg7[%dma_wait3A_143, %dma_wait3A_147] : memref<4x128xi32, #tpu.memory_space<vmem>> -> memref<1x128xi32, #tpu.memory_space<vmem>>
    %dma_wait3A_149 = tpu.memref_squeeze %dma_wait3A_148 : memref<1x128xi32, #tpu.memory_space<vmem>> -> memref<128xi32, #tpu.memory_space<vmem>>
    %dma_wait3A_150 = arith.constant 0 : i32
    %dma_wait3A_151 = arith.constant 0 : i32
    %dma_wait3A_152 = tpu.memref_slice %arg4[%dma_wait3A_150, %dma_wait3A_151] : memref<100000x128xf32, #tpu.memory_space<hbm>> -> memref<100000x128xf32, #tpu.memory_space<hbm>>
    tpu.wait_indirect_dma semaphore(%arg12 : memref<!tpu.dma_semaphore, #tpu.memory_space<semaphore_mem>>) src(%dma_wait3A_152 : memref<100000x128xf32, #tpu.memory_space<hbm>>) dst(%dma_wait3A_146 : memref<128x128xf32, #tpu.memory_space<vmem>>)
    %parallel_loop3A_153 = arith.constant 256 : i32
    %parallel_loop3A_154 = arith.constant 384 : i32
    %parallel_loop3A_155 = arith.constant 1 : i32
    scf.for %parallel_loop3A_229 = %parallel_loop3A_153 to %parallel_loop3A_154 step %parallel_loop3A_155  : i32 {
      %parallel_loop3A_230 = arith.index_cast %parallel_loop3A_229 : i32 to index
      %parallel_loop3A_231 = arith.constant 0 : index
      %parallel_loop3A_232 = tpu.vector_load %arg8[%parallel_loop3A_230, %parallel_loop3A_231] {strides = array<i32>} : memref<512x128xf32, #tpu.memory_space<vmem>>, vector<1x16xf32>,
      %parallel_loop3A_233 = vector.shape_cast %parallel_loop3A_232 : vector<1x16xf32> to vector<16xf32>
      %parallel_loop3A_234 = arith.constant 0.899999976 : f32
      %parallel_loop3A_235 = vector.broadcast %parallel_loop3A_234 : f32 to vector<16xf32>
      %parallel_loop3A_236 = arith.mulf %parallel_loop3A_233, %parallel_loop3A_235 : vector<16xf32>
      %parallel_loop3A_237 = arith.addf %parallel_loop3A_236, %mul3A_55 : vector<16xf32>
      %parallel_loop3A_238 = arith.index_cast %parallel_loop3A_229 : i32 to index
      %parallel_loop3A_239 = arith.constant 0 : index
      %parallel_loop3A_240 = tpu.vector_load %arg8[%parallel_loop3A_238, %parallel_loop3A_239] {strides = array<i32>} : memref<512x128xf32, #tpu.memory_space<vmem>>, vector<1x16xf32>,
      %parallel_loop3A_241 = vector.shape_cast %parallel_loop3A_240 : vector<1x16xf32> to vector<16xf32>
      %parallel_loop3A_242 = vector.shape_cast %parallel_loop3A_237 : vector<16xf32> to vector<1x16xf32>
      tpu.vector_store %arg8[%parallel_loop3A_238, %parallel_loop3A_239], %parallel_loop3A_242 {strides = array<i32>} : memref<512x128xf32, #tpu.memory_space<vmem>>, vector<1x16xf32>,
      %parallel_loop3A_243 = arith.index_cast %parallel_loop3A_229 : i32 to index
      %parallel_loop3A_244 = arith.constant 16 : index
      %parallel_loop3A_245 = tpu.vector_load %arg8[%parallel_loop3A_243, %parallel_loop3A_244] {strides = array<i32>} : memref<512x128xf32, #tpu.memory_space<vmem>>, vector<1x16xf32>,
      %parallel_loop3A_246 = vector.shape_cast %parallel_loop3A_245 : vector<1x16xf32> to vector<16xf32>
      %parallel_loop3A_247 = arith.constant 0.899999976 : f32
      %parallel_loop3A_248 = vector.broadcast %parallel_loop3A_247 : f32 to vector<16xf32>
      %parallel_loop3A_249 = arith.mulf %parallel_loop3A_246, %parallel_loop3A_248 : vector<16xf32>
      %parallel_loop3A_250 = arith.addf %parallel_loop3A_249, %mul3A_61 : vector<16xf32>
      %parallel_loop3A_251 = arith.index_cast %parallel_loop3A_229 : i32 to index
      %parallel_loop3A_252 = arith.constant 16 : index
      %parallel_loop3A_253 = tpu.vector_load %arg8[%parallel_loop3A_251, %parallel_loop3A_252] {strides = array<i32>} : memref<512x128xf32, #tpu.memory_space<vmem>>, vector<1x16xf32>,
      %parallel_loop3A_254 = vector.shape_cast %parallel_loop3A_253 : vector<1x16xf32> to vector<16xf32>
      %parallel_loop3A_255 = vector.shape_cast %parallel_loop3A_250 : vector<16xf32> to vector<1x16xf32>
      tpu.vector_store %arg8[%parallel_loop3A_251, %parallel_loop3A_252], %parallel_loop3A_255 {strides = array<i32>} : memref<512x128xf32, #tpu.memory_space<vmem>>, vector<1x16xf32>,
      %parallel_loop3A_256 = arith.index_cast %parallel_loop3A_229 : i32 to index
      %parallel_loop3A_257 = arith.constant 32 : index
      %parallel_loop3A_258 = tpu.vector_load %arg8[%parallel_loop3A_256, %parallel_loop3A_257] {strides = array<i32>} : memref<512x128xf32, #tpu.memory_space<vmem>>, vector<1x16xf32>,
      %parallel_loop3A_259 = vector.shape_cast %parallel_loop3A_258 : vector<1x16xf32> to vector<16xf32>
      %parallel_loop3A_260 = arith.constant 0.899999976 : f32
      %parallel_loop3A_261 = vector.broadcast %parallel_loop3A_260 : f32 to vector<16xf32>
      %parallel_loop3A_262 = arith.mulf %parallel_loop3A_259, %parallel_loop3A_261 : vector<16xf32>
      %parallel_loop3A_263 = arith.addf %parallel_loop3A_262, %mul3A_67 : vector<16xf32>
      %parallel_loop3A_264 = arith.index_cast %parallel_loop3A_229 : i32 to index
      %parallel_loop3A_265 = arith.constant 32 : index
      %parallel_loop3A_266 = tpu.vector_load %arg8[%parallel_loop3A_264, %parallel_loop3A_265] {strides = array<i32>} : memref<512x128xf32, #tpu.memory_space<vmem>>, vector<1x16xf32>,
      %parallel_loop3A_267 = vector.shape_cast %parallel_loop3A_266 : vector<1x16xf32> to vector<16xf32>
      %parallel_loop3A_268 = vector.shape_cast %parallel_loop3A_263 : vector<16xf32> to vector<1x16xf32>
      tpu.vector_store %arg8[%parallel_loop3A_264, %parallel_loop3A_265], %parallel_loop3A_268 {strides = array<i32>} : memref<512x128xf32, #tpu.memory_space<vmem>>, vector<1x16xf32>,
      %parallel_loop3A_269 = arith.index_cast %parallel_loop3A_229 : i32 to index
      %parallel_loop3A_270 = arith.constant 48 : index
      %parallel_loop3A_271 = tpu.vector_load %arg8[%parallel_loop3A_269, %parallel_loop3A_270] {strides = array<i32>} : memref<512x128xf32, #tpu.memory_space<vmem>>, vector<1x16xf32>,
      %parallel_loop3A_272 = vector.shape_cast %parallel_loop3A_271 : vector<1x16xf32> to vector<16xf32>
      %parallel_loop3A_273 = arith.constant 0.899999976 : f32
      %parallel_loop3A_274 = vector.broadcast %parallel_loop3A_273 : f32 to vector<16xf32>
      %parallel_loop3A_275 = arith.mulf %parallel_loop3A_272, %parallel_loop3A_274 : vector<16xf32>
      %parallel_loop3A_276 = arith.addf %parallel_loop3A_275, %mul3A_73 : vector<16xf32>
      %parallel_loop3A_277 = arith.index_cast %parallel_loop3A_229 : i32 to index
      %parallel_loop3A_278 = arith.constant 48 : index
      %parallel_loop3A_279 = tpu.vector_load %arg8[%parallel_loop3A_277, %parallel_loop3A_278] {strides = array<i32>} : memref<512x128xf32, #tpu.memory_space<vmem>>, vector<1x16xf32>,
      %parallel_loop3A_280 = vector.shape_cast %parallel_loop3A_279 : vector<1x16xf32> to vector<16xf32>
      %parallel_loop3A_281 = vector.shape_cast %parallel_loop3A_276 : vector<16xf32> to vector<1x16xf32>
      tpu.vector_store %arg8[%parallel_loop3A_277, %parallel_loop3A_278], %parallel_loop3A_281 {strides = array<i32>} : memref<512x128xf32, #tpu.memory_space<vmem>>, vector<1x16xf32>,
      %parallel_loop3A_282 = arith.index_cast %parallel_loop3A_229 : i32 to index
      %parallel_loop3A_283 = arith.constant 64 : index
      %parallel_loop3A_284 = tpu.vector_load %arg8[%parallel_loop3A_282, %parallel_loop3A_283] {strides = array<i32>} : memref<512x128xf32, #tpu.memory_space<vmem>>, vector<1x16xf32>,
      %parallel_loop3A_285 = vector.shape_cast %parallel_loop3A_284 : vector<1x16xf32> to vector<16xf32>
      %parallel_loop3A_286 = arith.constant 0.899999976 : f32
      %parallel_loop3A_287 = vector.broadcast %parallel_loop3A_286 : f32 to vector<16xf32>
      %parallel_loop3A_288 = arith.mulf %parallel_loop3A_285, %parallel_loop3A_287 : vector<16xf32>
      %parallel_loop3A_289 = arith.addf %parallel_loop3A_288, %mul3A_79 : vector<16xf32>
      %parallel_loop3A_290 = arith.index_cast %parallel_loop3A_229 : i32 to index
      %parallel_loop3A_291 = arith.constant 64 : index
      %parallel_loop3A_292 = tpu.vector_load %arg8[%parallel_loop3A_290, %parallel_loop3A_291] {strides = array<i32>} : memref<512x128xf32, #tpu.memory_space<vmem>>, vector<1x16xf32>,
      %parallel_loop3A_293 = vector.shape_cast %parallel_loop3A_292 : vector<1x16xf32> to vector<16xf32>
      %parallel_loop3A_294 = vector.shape_cast %parallel_loop3A_289 : vector<16xf32> to vector<1x16xf32>
      tpu.vector_store %arg8[%parallel_loop3A_290, %parallel_loop3A_291], %parallel_loop3A_294 {strides = array<i32>} : memref<512x128xf32, #tpu.memory_space<vmem>>, vector<1x16xf32>,
      %parallel_loop3A_295 = arith.index_cast %parallel_loop3A_229 : i32 to index
      %parallel_loop3A_296 = arith.constant 80 : index
      %parallel_loop3A_297 = tpu.vector_load %arg8[%parallel_loop3A_295, %parallel_loop3A_296] {strides = array<i32>} : memref<512x128xf32, #tpu.memory_space<vmem>>, vector<1x16xf32>,
      %parallel_loop3A_298 = vector.shape_cast %parallel_loop3A_297 : vector<1x16xf32> to vector<16xf32>
      %parallel_loop3A_299 = arith.constant 0.899999976 : f32
      %parallel_loop3A_300 = vector.broadcast %parallel_loop3A_299 : f32 to vector<16xf32>
      %parallel_loop3A_301 = arith.mulf %parallel_loop3A_298, %parallel_loop3A_300 : vector<16xf32>
      %parallel_loop3A_302 = arith.addf %parallel_loop3A_301, %mul3A_85 : vector<16xf32>
      %parallel_loop3A_303 = arith.index_cast %parallel_loop3A_229 : i32 to index
      %parallel_loop3A_304 = arith.constant 80 : index
      %parallel_loop3A_305 = tpu.vector_load %arg8[%parallel_loop3A_303, %parallel_loop3A_304] {strides = array<i32>} : memref<512x128xf32, #tpu.memory_space<vmem>>, vector<1x16xf32>,
      %parallel_loop3A_306 = vector.shape_cast %parallel_loop3A_305 : vector<1x16xf32> to vector<16xf32>
      %parallel_loop3A_307 = vector.shape_cast %parallel_loop3A_302 : vector<16xf32> to vector<1x16xf32>
      tpu.vector_store %arg8[%parallel_loop3A_303, %parallel_loop3A_304], %parallel_loop3A_307 {strides = array<i32>} : memref<512x128xf32, #tpu.memory_space<vmem>>, vector<1x16xf32>,
      %parallel_loop3A_308 = arith.index_cast %parallel_loop3A_229 : i32 to index
      %parallel_loop3A_309 = arith.constant 96 : index
      %parallel_loop3A_310 = tpu.vector_load %arg8[%parallel_loop3A_308, %parallel_loop3A_309] {strides = array<i32>} : memref<512x128xf32, #tpu.memory_space<vmem>>, vector<1x16xf32>,
      %parallel_loop3A_311 = vector.shape_cast %parallel_loop3A_310 : vector<1x16xf32> to vector<16xf32>
      %parallel_loop3A_312 = arith.constant 0.899999976 : f32
      %parallel_loop3A_313 = vector.broadcast %parallel_loop3A_312 : f32 to vector<16xf32>
      %parallel_loop3A_314 = arith.mulf %parallel_loop3A_311, %parallel_loop3A_313 : vector<16xf32>
      %parallel_loop3A_315 = arith.addf %parallel_loop3A_314, %mul3A_91 : vector<16xf32>
      %parallel_loop3A_316 = arith.index_cast %parallel_loop3A_229 : i32 to index
      %parallel_loop3A_317 = arith.constant 96 : index
      %parallel_loop3A_318 = tpu.vector_load %arg8[%parallel_loop3A_316, %parallel_loop3A_317] {strides = array<i32>} : memref<512x128xf32, #tpu.memory_space<vmem>>, vector<1x16xf32>,
      %parallel_loop3A_319 = vector.shape_cast %parallel_loop3A_318 : vector<1x16xf32> to vector<16xf32>
      %parallel_loop3A_320 = vector.shape_cast %parallel_loop3A_315 : vector<16xf32> to vector<1x16xf32>
      tpu.vector_store %arg8[%parallel_loop3A_316, %parallel_loop3A_317], %parallel_loop3A_320 {strides = array<i32>} : memref<512x128xf32, #tpu.memory_space<vmem>>, vector<1x16xf32>,
      %parallel_loop3A_321 = arith.index_cast %parallel_loop3A_229 : i32 to index
      %parallel_loop3A_322 = arith.constant 112 : index
      %parallel_loop3A_323 = tpu.vector_load %arg8[%parallel_loop3A_321, %parallel_loop3A_322] {strides = array<i32>} : memref<512x128xf32, #tpu.memory_space<vmem>>, vector<1x16xf32>,
      %parallel_loop3A_324 = vector.shape_cast %parallel_loop3A_323 : vector<1x16xf32> to vector<16xf32>
      %parallel_loop3A_325 = arith.constant 0.899999976 : f32
      %parallel_loop3A_326 = vector.broadcast %parallel_loop3A_325 : f32 to vector<16xf32>
      %parallel_loop3A_327 = arith.mulf %parallel_loop3A_324, %parallel_loop3A_326 : vector<16xf32>
      %parallel_loop3A_328 = arith.addf %parallel_loop3A_327, %mul3A_97 : vector<16xf32>
      %parallel_loop3A_329 = arith.index_cast %parallel_loop3A_229 : i32 to index
      %parallel_loop3A_330 = arith.constant 112 : index
      %parallel_loop3A_331 = tpu.vector_load %arg8[%parallel_loop3A_329, %parallel_loop3A_330] {strides = array<i32>} : memref<512x128xf32, #tpu.memory_space<vmem>>, vector<1x16xf32>,
      %parallel_loop3A_332 = vector.shape_cast %parallel_loop3A_331 : vector<1x16xf32> to vector<16xf32>
      %parallel_loop3A_333 = vector.shape_cast %parallel_loop3A_328 : vector<16xf32> to vector<1x16xf32>
      tpu.vector_store %arg8[%parallel_loop3A_329, %parallel_loop3A_330], %parallel_loop3A_333 {strides = array<i32>} : memref<512x128xf32, #tpu.memory_space<vmem>>, vector<1x16xf32>,
    } {sc.loop_unroll_factor = 8 : i64, sc.parallel_access}
    %dma_start3A_156 = arith.constant 2 : i32
    %dma_start3A_157 = arith.constant 256 : i32
    %dma_start3A_158 = arith.constant 0 : i32
    %dma_start3A_159 = tpu.memref_slice %arg8[%dma_start3A_157, %dma_start3A_158] : memref<512x128xf32, #tpu.memory_space<vmem>> -> memref<128x128xf32, #tpu.memory_space<vmem>>
    %dma_start3A_160 = arith.constant 0 : i32
    %dma_start3A_161 = tpu.memref_slice %arg7[%dma_start3A_156, %dma_start3A_160] : memref<4x128xi32, #tpu.memory_space<vmem>> -> memref<1x128xi32, #tpu.memory_space<vmem>>
    %dma_start3A_162 = tpu.memref_squeeze %dma_start3A_161 : memref<1x128xi32, #tpu.memory_space<vmem>> -> memref<128xi32, #tpu.memory_space<vmem>>
    %dma_start3A_163 = arith.constant 0 : i32
    %dma_start3A_164 = arith.constant 0 : i32
    %dma_start3A_165 = tpu.memref_slice %arg5[%dma_start3A_163, %dma_start3A_164] : memref<100000x128xf32, #tpu.memory_space<hbm>> -> memref<100000x128xf32, #tpu.memory_space<hbm>>
    tpu.enqueue_indirect_dma source(%dma_start3A_159 : memref<128x128xf32, #tpu.memory_space<vmem>>) target(%dma_start3A_165 : memref<100000x128xf32, #tpu.memory_space<hbm>>) offsets(%dma_start3A_162 : memref<128xi32, #tpu.memory_space<vmem>>) semaphore(%arg16 : memref<!tpu.dma_semaphore, #tpu.memory_space<semaphore_mem>>)
    %dma_wait3A_166 = arith.constant 3 : i32
    %dma_wait3A_167 = arith.constant 384 : i32
    %dma_wait3A_168 = arith.constant 0 : i32
    %dma_wait3A_169 = tpu.memref_slice %arg8[%dma_wait3A_167, %dma_wait3A_168] : memref<512x128xf32, #tpu.memory_space<vmem>> -> memref<128x128xf32, #tpu.memory_space<vmem>>
    %dma_wait3A_170 = arith.constant 0 : i32
    %dma_wait3A_171 = tpu.memref_slice %arg7[%dma_wait3A_166, %dma_wait3A_170] : memref<4x128xi32, #tpu.memory_space<vmem>> -> memref<1x128xi32, #tpu.memory_space<vmem>>
    %dma_wait3A_172 = tpu.memref_squeeze %dma_wait3A_171 : memref<1x128xi32, #tpu.memory_space<vmem>> -> memref<128xi32, #tpu.memory_space<vmem>>
    %dma_wait3A_173 = arith.constant 0 : i32
    %dma_wait3A_174 = arith.constant 0 : i32
    %dma_wait3A_175 = tpu.memref_slice %arg4[%dma_wait3A_173, %dma_wait3A_174] : memref<100000x128xf32, #tpu.memory_space<hbm>> -> memref<100000x128xf32, #tpu.memory_space<hbm>>
    tpu.wait_indirect_dma semaphore(%arg13 : memref<!tpu.dma_semaphore, #tpu.memory_space<semaphore_mem>>) src(%dma_wait3A_175 : memref<100000x128xf32, #tpu.memory_space<hbm>>) dst(%dma_wait3A_169 : memref<128x128xf32, #tpu.memory_space<vmem>>)
    %parallel_loop3A_176 = arith.constant 384 : i32
    %parallel_loop3A_177 = arith.constant 512 : i32
    %parallel_loop3A_178 = arith.constant 1 : i32
    scf.for %parallel_loop3A_229 = %parallel_loop3A_176 to %parallel_loop3A_177 step %parallel_loop3A_178  : i32 {
      %parallel_loop3A_230 = arith.index_cast %parallel_loop3A_229 : i32 to index
      %parallel_loop3A_231 = arith.constant 0 : index
      %parallel_loop3A_232 = tpu.vector_load %arg8[%parallel_loop3A_230, %parallel_loop3A_231] {strides = array<i32>} : memref<512x128xf32, #tpu.memory_space<vmem>>, vector<1x16xf32>,
      %parallel_loop3A_233 = vector.shape_cast %parallel_loop3A_232 : vector<1x16xf32> to vector<16xf32>
      %parallel_loop3A_234 = arith.constant 0.899999976 : f32
      %parallel_loop3A_235 = vector.broadcast %parallel_loop3A_234 : f32 to vector<16xf32>
      %parallel_loop3A_236 = arith.mulf %parallel_loop3A_233, %parallel_loop3A_235 : vector<16xf32>
      %parallel_loop3A_237 = arith.addf %parallel_loop3A_236, %mul3A_55 : vector<16xf32>
      %parallel_loop3A_238 = arith.index_cast %parallel_loop3A_229 : i32 to index
      %parallel_loop3A_239 = arith.constant 0 : index
      %parallel_loop3A_240 = tpu.vector_load %arg8[%parallel_loop3A_238, %parallel_loop3A_239] {strides = array<i32>} : memref<512x128xf32, #tpu.memory_space<vmem>>, vector<1x16xf32>,
      %parallel_loop3A_241 = vector.shape_cast %parallel_loop3A_240 : vector<1x16xf32> to vector<16xf32>
      %parallel_loop3A_242 = vector.shape_cast %parallel_loop3A_237 : vector<16xf32> to vector<1x16xf32>
      tpu.vector_store %arg8[%parallel_loop3A_238, %parallel_loop3A_239], %parallel_loop3A_242 {strides = array<i32>} : memref<512x128xf32, #tpu.memory_space<vmem>>, vector<1x16xf32>,
      %parallel_loop3A_243 = arith.index_cast %parallel_loop3A_229 : i32 to index
      %parallel_loop3A_244 = arith.constant 16 : index
      %parallel_loop3A_245 = tpu.vector_load %arg8[%parallel_loop3A_243, %parallel_loop3A_244] {strides = array<i32>} : memref<512x128xf32, #tpu.memory_space<vmem>>, vector<1x16xf32>,
      %parallel_loop3A_246 = vector.shape_cast %parallel_loop3A_245 : vector<1x16xf32> to vector<16xf32>
      %parallel_loop3A_247 = arith.constant 0.899999976 : f32
      %parallel_loop3A_248 = vector.broadcast %parallel_loop3A_247 : f32 to vector<16xf32>
      %parallel_loop3A_249 = arith.mulf %parallel_loop3A_246, %parallel_loop3A_248 : vector<16xf32>
      %parallel_loop3A_250 = arith.addf %parallel_loop3A_249, %mul3A_61 : vector<16xf32>
      %parallel_loop3A_251 = arith.index_cast %parallel_loop3A_229 : i32 to index
      %parallel_loop3A_252 = arith.constant 16 : index
      %parallel_loop3A_253 = tpu.vector_load %arg8[%parallel_loop3A_251, %parallel_loop3A_252] {strides = array<i32>} : memref<512x128xf32, #tpu.memory_space<vmem>>, vector<1x16xf32>,
      %parallel_loop3A_254 = vector.shape_cast %parallel_loop3A_253 : vector<1x16xf32> to vector<16xf32>
      %parallel_loop3A_255 = vector.shape_cast %parallel_loop3A_250 : vector<16xf32> to vector<1x16xf32>
      tpu.vector_store %arg8[%parallel_loop3A_251, %parallel_loop3A_252], %parallel_loop3A_255 {strides = array<i32>} : memref<512x128xf32, #tpu.memory_space<vmem>>, vector<1x16xf32>,
      %parallel_loop3A_256 = arith.index_cast %parallel_loop3A_229 : i32 to index
      %parallel_loop3A_257 = arith.constant 32 : index
      %parallel_loop3A_258 = tpu.vector_load %arg8[%parallel_loop3A_256, %parallel_loop3A_257] {strides = array<i32>} : memref<512x128xf32, #tpu.memory_space<vmem>>, vector<1x16xf32>,
      %parallel_loop3A_259 = vector.shape_cast %parallel_loop3A_258 : vector<1x16xf32> to vector<16xf32>
      %parallel_loop3A_260 = arith.constant 0.899999976 : f32
      %parallel_loop3A_261 = vector.broadcast %parallel_loop3A_260 : f32 to vector<16xf32>
      %parallel_loop3A_262 = arith.mulf %parallel_loop3A_259, %parallel_loop3A_261 : vector<16xf32>
      %parallel_loop3A_263 = arith.addf %parallel_loop3A_262, %mul3A_67 : vector<16xf32>
      %parallel_loop3A_264 = arith.index_cast %parallel_loop3A_229 : i32 to index
      %parallel_loop3A_265 = arith.constant 32 : index
      %parallel_loop3A_266 = tpu.vector_load %arg8[%parallel_loop3A_264, %parallel_loop3A_265] {strides = array<i32>} : memref<512x128xf32, #tpu.memory_space<vmem>>, vector<1x16xf32>,
      %parallel_loop3A_267 = vector.shape_cast %parallel_loop3A_266 : vector<1x16xf32> to vector<16xf32>
      %parallel_loop3A_268 = vector.shape_cast %parallel_loop3A_263 : vector<16xf32> to vector<1x16xf32>
      tpu.vector_store %arg8[%parallel_loop3A_264, %parallel_loop3A_265], %parallel_loop3A_268 {strides = array<i32>} : memref<512x128xf32, #tpu.memory_space<vmem>>, vector<1x16xf32>,
      %parallel_loop3A_269 = arith.index_cast %parallel_loop3A_229 : i32 to index
      %parallel_loop3A_270 = arith.constant 48 : index
      %parallel_loop3A_271 = tpu.vector_load %arg8[%parallel_loop3A_269, %parallel_loop3A_270] {strides = array<i32>} : memref<512x128xf32, #tpu.memory_space<vmem>>, vector<1x16xf32>,
      %parallel_loop3A_272 = vector.shape_cast %parallel_loop3A_271 : vector<1x16xf32> to vector<16xf32>
      %parallel_loop3A_273 = arith.constant 0.899999976 : f32
      %parallel_loop3A_274 = vector.broadcast %parallel_loop3A_273 : f32 to vector<16xf32>
      %parallel_loop3A_275 = arith.mulf %parallel_loop3A_272, %parallel_loop3A_274 : vector<16xf32>
      %parallel_loop3A_276 = arith.addf %parallel_loop3A_275, %mul3A_73 : vector<16xf32>
      %parallel_loop3A_277 = arith.index_cast %parallel_loop3A_229 : i32 to index
      %parallel_loop3A_278 = arith.constant 48 : index
      %parallel_loop3A_279 = tpu.vector_load %arg8[%parallel_loop3A_277, %parallel_loop3A_278] {strides = array<i32>} : memref<512x128xf32, #tpu.memory_space<vmem>>, vector<1x16xf32>,
      %parallel_loop3A_280 = vector.shape_cast %parallel_loop3A_279 : vector<1x16xf32> to vector<16xf32>
      %parallel_loop3A_281 = vector.shape_cast %parallel_loop3A_276 : vector<16xf32> to vector<1x16xf32>
      tpu.vector_store %arg8[%parallel_loop3A_277, %parallel_loop3A_278], %parallel_loop3A_281 {strides = array<i32>} : memref<512x128xf32, #tpu.memory_space<vmem>>, vector<1x16xf32>,
      %parallel_loop3A_282 = arith.index_cast %parallel_loop3A_229 : i32 to index
      %parallel_loop3A_283 = arith.constant 64 : index
      %parallel_loop3A_284 = tpu.vector_load %arg8[%parallel_loop3A_282, %parallel_loop3A_283] {strides = array<i32>} : memref<512x128xf32, #tpu.memory_space<vmem>>, vector<1x16xf32>,
      %parallel_loop3A_285 = vector.shape_cast %parallel_loop3A_284 : vector<1x16xf32> to vector<16xf32>
      %parallel_loop3A_286 = arith.constant 0.899999976 : f32
      %parallel_loop3A_287 = vector.broadcast %parallel_loop3A_286 : f32 to vector<16xf32>
      %parallel_loop3A_288 = arith.mulf %parallel_loop3A_285, %parallel_loop3A_287 : vector<16xf32>
      %parallel_loop3A_289 = arith.addf %parallel_loop3A_288, %mul3A_79 : vector<16xf32>
      %parallel_loop3A_290 = arith.index_cast %parallel_loop3A_229 : i32 to index
      %parallel_loop3A_291 = arith.constant 64 : index
      %parallel_loop3A_292 = tpu.vector_load %arg8[%parallel_loop3A_290, %parallel_loop3A_291] {strides = array<i32>} : memref<512x128xf32, #tpu.memory_space<vmem>>, vector<1x16xf32>,
      %parallel_loop3A_293 = vector.shape_cast %parallel_loop3A_292 : vector<1x16xf32> to vector<16xf32>
      %parallel_loop3A_294 = vector.shape_cast %parallel_loop3A_289 : vector<16xf32> to vector<1x16xf32>
      tpu.vector_store %arg8[%parallel_loop3A_290, %parallel_loop3A_291], %parallel_loop3A_294 {strides = array<i32>} : memref<512x128xf32, #tpu.memory_space<vmem>>, vector<1x16xf32>,
      %parallel_loop3A_295 = arith.index_cast %parallel_loop3A_229 : i32 to index
      %parallel_loop3A_296 = arith.constant 80 : index
      %parallel_loop3A_297 = tpu.vector_load %arg8[%parallel_loop3A_295, %parallel_loop3A_296] {strides = array<i32>} : memref<512x128xf32, #tpu.memory_space<vmem>>, vector<1x16xf32>,
      %parallel_loop3A_298 = vector.shape_cast %parallel_loop3A_297 : vector<1x16xf32> to vector<16xf32>
      %parallel_loop3A_299 = arith.constant 0.899999976 : f32
      %parallel_loop3A_300 = vector.broadcast %parallel_loop3A_299 : f32 to vector<16xf32>
      %parallel_loop3A_301 = arith.mulf %parallel_loop3A_298, %parallel_loop3A_300 : vector<16xf32>
      %parallel_loop3A_302 = arith.addf %parallel_loop3A_301, %mul3A_85 : vector<16xf32>
      %parallel_loop3A_303 = arith.index_cast %parallel_loop3A_229 : i32 to index
      %parallel_loop3A_304 = arith.constant 80 : index
      %parallel_loop3A_305 = tpu.vector_load %arg8[%parallel_loop3A_303, %parallel_loop3A_304] {strides = array<i32>} : memref<512x128xf32, #tpu.memory_space<vmem>>, vector<1x16xf32>,
      %parallel_loop3A_306 = vector.shape_cast %parallel_loop3A_305 : vector<1x16xf32> to vector<16xf32>
      %parallel_loop3A_307 = vector.shape_cast %parallel_loop3A_302 : vector<16xf32> to vector<1x16xf32>
      tpu.vector_store %arg8[%parallel_loop3A_303, %parallel_loop3A_304], %parallel_loop3A_307 {strides = array<i32>} : memref<512x128xf32, #tpu.memory_space<vmem>>, vector<1x16xf32>,
      %parallel_loop3A_308 = arith.index_cast %parallel_loop3A_229 : i32 to index
      %parallel_loop3A_309 = arith.constant 96 : index
      %parallel_loop3A_310 = tpu.vector_load %arg8[%parallel_loop3A_308, %parallel_loop3A_309] {strides = array<i32>} : memref<512x128xf32, #tpu.memory_space<vmem>>, vector<1x16xf32>,
      %parallel_loop3A_311 = vector.shape_cast %parallel_loop3A_310 : vector<1x16xf32> to vector<16xf32>
      %parallel_loop3A_312 = arith.constant 0.899999976 : f32
      %parallel_loop3A_313 = vector.broadcast %parallel_loop3A_312 : f32 to vector<16xf32>
      %parallel_loop3A_314 = arith.mulf %parallel_loop3A_311, %parallel_loop3A_313 : vector<16xf32>
      %parallel_loop3A_315 = arith.addf %parallel_loop3A_314, %mul3A_91 : vector<16xf32>
      %parallel_loop3A_316 = arith.index_cast %parallel_loop3A_229 : i32 to index
      %parallel_loop3A_317 = arith.constant 96 : index
      %parallel_loop3A_318 = tpu.vector_load %arg8[%parallel_loop3A_316, %parallel_loop3A_317] {strides = array<i32>} : memref<512x128xf32, #tpu.memory_space<vmem>>, vector<1x16xf32>,
      %parallel_loop3A_319 = vector.shape_cast %parallel_loop3A_318 : vector<1x16xf32> to vector<16xf32>
      %parallel_loop3A_320 = vector.shape_cast %parallel_loop3A_315 : vector<16xf32> to vector<1x16xf32>
      tpu.vector_store %arg8[%parallel_loop3A_316, %parallel_loop3A_317], %parallel_loop3A_320 {strides = array<i32>} : memref<512x128xf32, #tpu.memory_space<vmem>>, vector<1x16xf32>,
      %parallel_loop3A_321 = arith.index_cast %parallel_loop3A_229 : i32 to index
      %parallel_loop3A_322 = arith.constant 112 : index
      %parallel_loop3A_323 = tpu.vector_load %arg8[%parallel_loop3A_321, %parallel_loop3A_322] {strides = array<i32>} : memref<512x128xf32, #tpu.memory_space<vmem>>, vector<1x16xf32>,
      %parallel_loop3A_324 = vector.shape_cast %parallel_loop3A_323 : vector<1x16xf32> to vector<16xf32>
      %parallel_loop3A_325 = arith.constant 0.899999976 : f32
      %parallel_loop3A_326 = vector.broadcast %parallel_loop3A_325 : f32 to vector<16xf32>
      %parallel_loop3A_327 = arith.mulf %parallel_loop3A_324, %parallel_loop3A_326 : vector<16xf32>
      %parallel_loop3A_328 = arith.addf %parallel_loop3A_327, %mul3A_97 : vector<16xf32>
      %parallel_loop3A_329 = arith.index_cast %parallel_loop3A_229 : i32 to index
      %parallel_loop3A_330 = arith.constant 112 : index
      %parallel_loop3A_331 = tpu.vector_load %arg8[%parallel_loop3A_329, %parallel_loop3A_330] {strides = array<i32>} : memref<512x128xf32, #tpu.memory_space<vmem>>, vector<1x16xf32>,
      %parallel_loop3A_332 = vector.shape_cast %parallel_loop3A_331 : vector<1x16xf32> to vector<16xf32>
      %parallel_loop3A_333 = vector.shape_cast %parallel_loop3A_328 : vector<16xf32> to vector<1x16xf32>
      tpu.vector_store %arg8[%parallel_loop3A_329, %parallel_loop3A_330], %parallel_loop3A_333 {strides = array<i32>} : memref<512x128xf32, #tpu.memory_space<vmem>>, vector<1x16xf32>,
    } {sc.loop_unroll_factor = 8 : i64, sc.parallel_access}
    %dma_start3A_179 = arith.constant 3 : i32
    %dma_start3A_180 = arith.constant 384 : i32
    %dma_start3A_181 = arith.constant 0 : i32
    %dma_start3A_182 = tpu.memref_slice %arg8[%dma_start3A_180, %dma_start3A_181] : memref<512x128xf32, #tpu.memory_space<vmem>> -> memref<128x128xf32, #tpu.memory_space<vmem>>
    %dma_start3A_183 = arith.constant 0 : i32
    %dma_start3A_184 = tpu.memref_slice %arg7[%dma_start3A_179, %dma_start3A_183] : memref<4x128xi32, #tpu.memory_space<vmem>> -> memref<1x128xi32, #tpu.memory_space<vmem>>
    %dma_start3A_185 = tpu.memref_squeeze %dma_start3A_184 : memref<1x128xi32, #tpu.memory_space<vmem>> -> memref<128xi32, #tpu.memory_space<vmem>>
    %dma_start3A_186 = arith.constant 0 : i32
    %dma_start3A_187 = arith.constant 0 : i32
    %dma_start3A_188 = tpu.memref_slice %arg5[%dma_start3A_186, %dma_start3A_187] : memref<100000x128xf32, #tpu.memory_space<hbm>> -> memref<100000x128xf32, #tpu.memory_space<hbm>>
    tpu.enqueue_indirect_dma source(%dma_start3A_182 : memref<128x128xf32, #tpu.memory_space<vmem>>) target(%dma_start3A_188 : memref<100000x128xf32, #tpu.memory_space<hbm>>) offsets(%dma_start3A_185 : memref<128xi32, #tpu.memory_space<vmem>>) semaphore(%arg16 : memref<!tpu.dma_semaphore, #tpu.memory_space<semaphore_mem>>)
    %dma_wait3A_189 = arith.constant 0 : i32
    %dma_wait3A_190 = arith.constant 0 : i32
    %dma_wait3A_191 = arith.constant 0 : i32
    %dma_wait3A_192 = tpu.memref_slice %arg8[%dma_wait3A_190, %dma_wait3A_191] : memref<512x128xf32, #tpu.memory_space<vmem>> -> memref<128x128xf32, #tpu.memory_space<vmem>>
    %dma_wait3A_193 = arith.constant 0 : i32
    %dma_wait3A_194 = tpu.memref_slice %arg7[%dma_wait3A_189, %dma_wait3A_193] : memref<4x128xi32, #tpu.memory_space<vmem>> -> memref<1x128xi32, #tpu.memory_space<vmem>>
    %dma_wait3A_195 = tpu.memref_squeeze %dma_wait3A_194 : memref<1x128xi32, #tpu.memory_space<vmem>> -> memref<128xi32, #tpu.memory_space<vmem>>
    %dma_wait3A_196 = arith.constant 0 : i32
    %dma_wait3A_197 = arith.constant 0 : i32
    %dma_wait3A_198 = tpu.memref_slice %arg5[%dma_wait3A_196, %dma_wait3A_197] : memref<100000x128xf32, #tpu.memory_space<hbm>> -> memref<100000x128xf32, #tpu.memory_space<hbm>>
    tpu.wait_indirect_dma semaphore(%arg16 : memref<!tpu.dma_semaphore, #tpu.memory_space<semaphore_mem>>) src(%dma_wait3A_192 : memref<128x128xf32, #tpu.memory_space<vmem>>) dst(%dma_wait3A_198 : memref<100000x128xf32, #tpu.memory_space<hbm>>)
    %dma_wait3A_199 = arith.constant 1 : i32
    %dma_wait3A_200 = arith.constant 128 : i32
    %dma_wait3A_201 = arith.constant 0 : i32
    %dma_wait3A_202 = tpu.memref_slice %arg8[%dma_wait3A_200, %dma_wait3A_201] : memref<512x128xf32, #tpu.memory_space<vmem>> -> memref<128x128xf32, #tpu.memory_space<vmem>>
    %dma_wait3A_203 = arith.constant 0 : i32
    %dma_wait3A_204 = tpu.memref_slice %arg7[%dma_wait3A_199, %dma_wait3A_203] : memref<4x128xi32, #tpu.memory_space<vmem>> -> memref<1x128xi32, #tpu.memory_space<vmem>>
    %dma_wait3A_205 = tpu.memref_squeeze %dma_wait3A_204 : memref<1x128xi32, #tpu.memory_space<vmem>> -> memref<128xi32, #tpu.memory_space<vmem>>
    %dma_wait3A_206 = arith.constant 0 : i32
    %dma_wait3A_207 = arith.constant 0 : i32
    %dma_wait3A_208 = tpu.memref_slice %arg5[%dma_wait3A_206, %dma_wait3A_207] : memref<100000x128xf32, #tpu.memory_space<hbm>> -> memref<100000x128xf32, #tpu.memory_space<hbm>>
    tpu.wait_indirect_dma semaphore(%arg16 : memref<!tpu.dma_semaphore, #tpu.memory_space<semaphore_mem>>) src(%dma_wait3A_202 : memref<128x128xf32, #tpu.memory_space<vmem>>) dst(%dma_wait3A_208 : memref<100000x128xf32, #tpu.memory_space<hbm>>)
    %dma_wait3A_209 = arith.constant 2 : i32
    %dma_wait3A_210 = arith.constant 256 : i32
    %dma_wait3A_211 = arith.constant 0 : i32
    %dma_wait3A_212 = tpu.memref_slice %arg8[%dma_wait3A_210, %dma_wait3A_211] : memref<512x128xf32, #tpu.memory_space<vmem>> -> memref<128x128xf32, #tpu.memory_space<vmem>>
    %dma_wait3A_213 = arith.constant 0 : i32
    %dma_wait3A_214 = tpu.memref_slice %arg7[%dma_wait3A_209, %dma_wait3A_213] : memref<4x128xi32, #tpu.memory_space<vmem>> -> memref<1x128xi32, #tpu.memory_space<vmem>>
    %dma_wait3A_215 = tpu.memref_squeeze %dma_wait3A_214 : memref<1x128xi32, #tpu.memory_space<vmem>> -> memref<128xi32, #tpu.memory_space<vmem>>
    %dma_wait3A_216 = arith.constant 0 : i32
    %dma_wait3A_217 = arith.constant 0 : i32
    %dma_wait3A_218 = tpu.memref_slice %arg5[%dma_wait3A_216, %dma_wait3A_217] : memref<100000x128xf32, #tpu.memory_space<hbm>> -> memref<100000x128xf32, #tpu.memory_space<hbm>>
    tpu.wait_indirect_dma semaphore(%arg16 : memref<!tpu.dma_semaphore, #tpu.memory_space<semaphore_mem>>) src(%dma_wait3A_212 : memref<128x128xf32, #tpu.memory_space<vmem>>) dst(%dma_wait3A_218 : memref<100000x128xf32, #tpu.memory_space<hbm>>)
    %dma_wait3A_219 = arith.constant 3 : i32
    %dma_wait3A_220 = arith.constant 384 : i32
    %dma_wait3A_221 = arith.constant 0 : i32
    %dma_wait3A_222 = tpu.memref_slice %arg8[%dma_wait3A_220, %dma_wait3A_221] : memref<512x128xf32, #tpu.memory_space<vmem>> -> memref<128x128xf32, #tpu.memory_space<vmem>>
    %dma_wait3A_223 = arith.constant 0 : i32
    %dma_wait3A_224 = tpu.memref_slice %arg7[%dma_wait3A_219, %dma_wait3A_223] : memref<4x128xi32, #tpu.memory_space<vmem>> -> memref<1x128xi32, #tpu.memory_space<vmem>>
    %dma_wait3A_225 = tpu.memref_squeeze %dma_wait3A_224 : memref<1x128xi32, #tpu.memory_space<vmem>> -> memref<128xi32, #tpu.memory_space<vmem>>
    %dma_wait3A_226 = arith.constant 0 : i32
    %dma_wait3A_227 = arith.constant 0 : i32
    %dma_wait3A_228 = tpu.memref_slice %arg5[%dma_wait3A_226, %dma_wait3A_227] : memref<100000x128xf32, #tpu.memory_space<hbm>> -> memref<100000x128xf32, #tpu.memory_space<hbm>>
    tpu.wait_indirect_dma semaphore(%arg16 : memref<!tpu.dma_semaphore, #tpu.memory_space<semaphore_mem>>) src(%dma_wait3A_222 : memref<128x128xf32, #tpu.memory_space<vmem>>) dst(%dma_wait3A_228 : memref<100000x128xf32, #tpu.memory_space<hbm>>)
    return
  }
}

</mosaic_0001>

<sc_bundles>
// kernel: kernel.3.cloned.1.call-start
scs
__scs_entry_jumppad:
0x0: {  	(pc) =	sbr.rel $0x88, $3  }
0x1: {  	(tag) =	ssettag $0x0;
	lr =	simm.s32 $0x1  }
0x2: {  	[smem:$0x3F9E] =	sst lr;
	_ =	strace $0xD0000000  }
0x3: {  	_ = 	snop  }
0x4: {  	_ = 	snop  }
0x5: {  	_ = 	snop  }
0x6: {  	_ = 	snop  }
0x7: {  	_ = 	snop  }
__scs_overlays_trampoline_lowered:
0x8: {  	[smem:$0x3FAD] =	sst s0  }
0x9: {  	[smem:$0x3FAE] =	sst s1  }
0xa: {  	[smem:$0x3FAF] =	sst s2  }
0xb: {  	[smem:$0x3FB0] =	sst s3  }
0xc: {  	[smem:$0x3FB1] =	sst s4  }
0xd: {  	[smem:$0x3FB2] =	sst s5  }
0xe: {  	[smem:$0x3FB3] =	sst s6  }
0xf: {  	[smem:$0x3FB4] =	sst s7  }
0x10: {  	[smem:$0x3FB5] =	sst s8  }
0x11: {  	[smem:$0x3FB6] =	sst s9;
	s0 =	simm.s32 @!p0 $0x0  }
0x12: {  	s1 =	sld [smem:$0x3F9C];
	s0 =	simm.s32 @p0 $0x1  }
0x13: {  	[smem:$0x3FB7] =	sst s0;
	s0 =	simm.s32 @!p1 $0x0  }
0x14: {  	s2 =	sld [smem:$0x3F9B];
	s0 =	simm.s32 @p1 $0x1  }
0x15: {  	[smem:$0x3FB8] =	sst s0;
	s0 =	simm.s32 @!p2 $0x0  }
0x16: {  	s3 =	sld [smem:$0x3FDB];
	s0 =	simm.s32 @p2 $0x1  }
0x17: {  	s4 =	simm.s32 $0x1BF5;
	[smem:$0x3FBA] =	sst s0  }
0x18: {  	s0 =	sld [smem:$0x3F9D];
	_ =	swait.ge [sflag:s4], $0x0  }
0x19: {  	s7 =	sld [smem:$0x3F9E]  }
0x1a: {  	s8 =	sadd.s32 $0xFFFFE003, lr  }
0x1b: {  	s9 =	sadd.s32 $0xFFFFFEF7, lr;
	s5 =	simm.s32 $0xFFFFFFFF;
	p2 =	slt.u32 s8, $0xFFFFF086  }
0x1c: {  	p1 =	slt.u32 s9, $0xF7A;
	s5 =	simm.s32 @!p2 $0x0  }
0x1d: {  	s5 =	simm.s32 @p1 $0x1;
	p0 =	seq.s32 s7, s2  }
0x1e: {  	s7 =	smul.u32 @!p0 $0xF7A, s2;
	p2 =	seq.s32 @!p0 s5, $0x0  }
0x1f: {  	s9 =	smul.u32 $0xF7A, s1;
	s8 =	simm.s32 @!p0 $0x1BF5;
	p2 =	por !p2, p0  }
0x20: {  	[sflag:s8] =	ssyncset.s32 @!p0 $0xFFFFF086;
	s6 =	sadd.s32 @!p0 s3, s7;
	s7 =	simm.s32 @!p0 $0x108  }
0x21: {  	s3 =	sadd.s32 s3, s9;
	s6 =	sadd.s32 @!p0 $0x88, s6;
	s7 =	simm.s32 @p2 $0x1082  }
0x22: {  	[simem:s7], [sflag:s8] =	dma.local @!p0 [hbm:s6], $0xF7A  }
0x23: {  	s9 =	sor.u32 $0xD0000000, s2;
	s6 =	simm.s32 $0x108;
	_ =	swait.ge @!p0 [sflag:s8], $0x0  }
0x24: {  	s3 =	sadd.s32 $0x88, s3;
	s6 =	simm.s32 @!p1 $0x1082;
	[sflag:s4] =	ssyncset.s32 $0xFFFFF086  }
0x25: {  	[simem:s6], [sflag:s4] =	dma.local [hbm:s3], $0xF7A  }
0x26: {  	[smem:$0x3F9E] =	sst s1;
	(tag) =	ssettag s2;
	_ =	strace s9  }
0x27: {  	s1 =	sld [smem:$0x3FAE]  }
0x28: {  	s2 =	sld [smem:$0x3FAF]  }
0x29: {  	s4 =	sld [smem:$0x3FB1]  }
0x2a: {  	p0 =	seq.s32 s5, $0x0;
	s5 =	sld [smem:$0x3FB2]  }
0x2b: {  	s6 =	sld [smem:$0x3FB3]  }
0x2c: {  	s7 =	sld [smem:$0x3FB4]  }
0x2d: {  	s3 =	simm.s32 $0x108;
	s8 =	sld [smem:$0x3FB5]  }
0x2e: {  	s3 =	simm.s32 @!p0 $0x1082;
	s9 =	sld [smem:$0x3FB6]  }
0x2f: {  	lr =	sadd.s32 s0, s3;
	s0 =	sld [smem:$0x3FAD]  }
0x30: {  	s3 =	sld [smem:$0x3FB0]  }
0x31: {  	[smem:$0x3FB9] =	sst s10  }
0x32: {  	s10 =	sld [smem:$0x3FB7];
	_ =	sdelay $0x3  }
0x33: {  	p0 =	seq.s32 s10, $0x1;
	s10 =	sld [smem:$0x3FB9];
	_ =	sdelay $0x3  }
0x34: {  	[smem:$0x3FB9] =	sst s10  }
0x35: {  	s10 =	sld [smem:$0x3FB8];
	_ =	sdelay $0x3  }
0x36: {  	p1 =	seq.s32 s10, $0x1;
	s10 =	sld [smem:$0x3FB9];
	_ =	sdelay $0x3  }
0x37: {  	[smem:$0x3FB9] =	sst s10  }
0x38: {  	s10 =	sld [smem:$0x3FBA]  }
0x39: {  	_ = 	snop;
	(pc) =	sbr.ind lr, $3  }
0x3a: {  	_ = 	snop  }
0x3b: {  	_ = 	snop  }
0x3c: {  	p2 =	seq.s32 s10, $0x1;
	s10 =	sld [smem:$0x3FB9]  }
0x3d: {  	_ =	shalt  }
0x3e: {  	_ =	shalt  }
0x3f: {  	_ =	shalt  }
0x40: {  	_ =	shalt  }
0x41: {  	_ =	shalt  }
0x42: {  	_ =	shalt  }
0x43: {  	_ =	shalt  }
0x44: {  	_ =	shalt  }
0x45: {  	_ =	shalt  }
0x46: {  	_ =	shalt  }
0x47: {  	_ =	shalt  }
0x48: {  	_ =	shalt  }
0x49: {  	_ =	shalt  }
0x4a: {  	_ =	shalt  }
0x4b: {  	_ =	shalt  }
0x4c: {  	_ =	shalt  }
0x4d: {  	_ =	shalt  }
0x4e: {  	_ =	shalt  }
0x4f: {  	_ =	shalt  }
0x50: {  	_ =	shalt  }
0x51: {  	_ =	shalt  }
0x52: {  	_ =	shalt  }
0x53: {  	_ =	shalt  }
0x54: {  	_ =	shalt  }
0x55: {  	_ =	shalt  }
0x56: {  	_ =	shalt  }
0x57: {  	_ =	shalt  }
0x58: {  	_ =	shalt  }
0x59: {  	_ =	shalt  }
0x5a: {  	_ =	shalt  }
0x5b: {  	_ =	shalt  }
0x5c: {  	_ =	shalt  }
0x5d: {  	_ =	shalt  }
0x5e: {  	_ =	shalt  }
0x5f: {  	_ =	shalt  }
0x60: {  	_ =	shalt  }
0x61: {  	_ =	shalt  }
0x62: {  	_ =	shalt  }
0x63: {  	_ =	shalt  }
0x64: {  	_ =	shalt  }
0x65: {  	_ =	shalt  }
0x66: {  	_ =	shalt  }
0x67: {  	_ =	shalt  }
0x68: {  	_ =	shalt  }
0x69: {  	_ =	shalt  }
0x6a: {  	_ =	shalt  }
0x6b: {  	_ =	shalt  }
0x6c: {  	_ =	shalt  }
0x6d: {  	_ =	shalt  }
0x6e: {  	_ =	shalt  }
0x6f: {  	_ =	shalt  }
0x70: {  	_ =	shalt  }
0x71: {  	_ =	shalt  }
0x72: {  	_ =	shalt  }
0x73: {  	_ =	shalt  }
0x74: {  	_ =	shalt  }
0x75: {  	_ =	shalt  }
0x76: {  	_ =	shalt  }
0x77: {  	_ =	shalt  }
0x78: {  	_ =	shalt  }
0x79: {  	_ =	shalt  }
0x7a: {  	_ =	shalt  }
0x7b: {  	_ =	shalt  }
0x7c: {  	_ =	shalt  }
0x7d: {  	_ =	shalt  }
0x7e: {  	_ =	shalt  }
0x7f: {  	_ =	shalt  }
0x80: {  	_ =	shalt  }
0x81: {  	_ =	shalt  }
0x82: {  	_ =	shalt  }
0x83: {  	_ =	shalt  }
0x84: {  	_ =	shalt  }
0x85: {  	_ =	shalt  }
0x86: {  	_ =	shalt  }
0x87: {  	_ =	shalt  }
.Lfunc_end0:
.L_simem_size_0:
called_computation_lowered:
.L_overlay_start_0:
0x88: {  	s2 =	sld [smem:$0x3FD9]  }
0x89: {  	s3 =	sld [smem:$0x3FFE];
	_ =	sdelay $0x1  }
0x8a: {  	s1 =	srdreg.scid  }
0x8b: {  	s0 =	sand.u32 $0x1, s1  }
0x8c: {  	s18 =	sshll.u32 s0, $0xA;
	s2 =	sadd.s32 s3, s2  }
0x8d: {  	s2 =	sadd.s32 s2, s18  }
0x8e: {  	[smem:$0x3FC5] =	sst s2  }
0x8f: {  	_ = 	snop  }
0x90: {  	s2 =	sld [smem:$0x3FC9]  }
0x91: {  	s19 =	sld [smem:$0x3FC8]  }
0x92: {  	s4 =	sld [smem:$0x3FC7]  }
0x93: {  	s5 =	sld [smem:$0x3FD0];
	(tm) =	ssettm $0x1  }
0x94: {  	s6 =	sld [smem:$0x3FFB];
	_ =	sdelay $0x3  }
0x95: {  	_ =	strace s6  }
0x96: {  	s6 =	sld [smem:$0x3FFC];
	_ =	sdelay $0x3  }
0x97: {  	_ =	strace s6  }
0x98: {  	s6 =	sld [smem:$0x3FFD];
	_ =	sdelay $0x3  }
0x99: {  	_ =	strace s6  }
0x9a: {  	_ =	strace $0x8FFFFFFF  }
0x9b: {  	s20 =	sld [smem:$0x3FDB];
	_ =	sdelay $0x1  }
0x9c: {  	s7 =	simm.s32 $_scs_section_size  }
0x9d: {  	s8 =	simm.s32 $_size__tile_overlayer_lowered;
	s9 =	simm.s32 $_tile_overlayer_lowered  }
0x9e: {  	s23 =	simm.s32 $0x1BFF;
	s22 =	sshll.u32 s9, $0x1;
	s6 =	sadd.s32 s7, s20  }
0x9f: {  	s10 =	simm.s32 $0x0;
	s21 =	sshll.u32 s8, $0x1;
	s8 =	sadd.s32 s22, s6  }
0xa0: {  	[timem:s10], [sflag:s23] =	dma.local [hbm:s8], s21  }
0xa1: {  	_ =	swait.ge [sflag:s23], s21  }
0xa2: {  	s7 =	ssub.s32 $0x0, s21;
	[sflag:s23] =	ssyncset.done $0x0  }
0xa3: {  	[sflag:s23] =	ssyncadd.s32 s7;
	_ =	sdelay $0x1  }
0xa4: {  	s24 =	simm.s32 $0x1B8B  }
0xa5: {  	_ =	swait.ge [sflag:s24], $0x1  }
0xa6: {  	[sflag:s24] =	ssyncset.done $0x0  }
0xa7: {  	s25 =	simm.s32 $0x1B8E;
	[sflag:s24] =	ssyncadd.s32 $0xFFFFFFFF  }
0xa8: {  	s26 =	simm.s32 $execute0_lowered;
	[smem:$0x3FD2] =	sst s25  }
0xa9: {  	s7 =	sshll.u32 s26, $0x1;
	_ =	strace $0x80000046;
	[dreg:$0x1] =	wrdreg $0xFFFFFFFF  }
0xaa: {  	s28 =	simm.s32 $_size_execute0_lowered;
	s6 =	sadd.s32 s6, s7;
	[dreg:$0x0] =	wrdreg $0x0  }
0xab: {  	s7 =	sshll.u32 s28, $0x1;
	[dreg:$0x2] =	wrdreg s6  }
0xac: {  	[dreg:$0x3] =	wrdreg s7  }
0xad: {  	[dreg:$0x4] =	wrdreg $0xC0  }
0xae: {  	_ =	task [dreg:s10], $0x5FFFF  }
0xaf: {  	[dreg:$0x1] =	wrdreg $0xFFFFFFFF  }
0xb0: {  	[dreg:$0x0] =	wrdreg $0x60  }
0xb1: {  	[dreg:$0x2] =	wrdreg s2  }
0xb2: {  	[dreg:$0x3] =	wrdreg s19  }
0xb3: {  	[dreg:$0x4] =	wrdreg s4  }
0xb4: {  	[dreg:$0x5] =	wrdreg s5  }
0xb5: {  	[dreg:$0x6] =	wrdreg $0x9  }
0xb6: {  	_ =	task.clear_ibuf [dreg:s10], $0x7FFFF;
	_ =	strace $0x90000046  }
0xb7: {  	s29 =	simm.s32 $0x9;
	_ =	strace $0x80000048  }
0xb8: {  	_ =	swait.ge [sflag:s29], $0x1  }
0xb9: {  	[sflag:s29] =	ssyncadd.s32 $0xFFFFFFFF  }
0xba: {  	_ =	strace $0x90000048  }
0xbb: {  	_ =	sfence  }
0xbc: {  	s30 =	sld [smem:$0x0];
	_ =	sdelay $0x2  }
0xbd: {  	s31 =	sshll.u32 s1, $0xD;
	s1 =	sshrl.u32 s1, $0x2  }
0xbe: {  	s3 =	sand.u32 $0x4000, s31;
	s1 =	sadd.s32 s1, s30  }
0xbf: {  	s0 =	sor.u32 s3, s0;
	s1 =	sshll.u32 s1, $0x11  }
0xc0: {  	s0 =	sor.u32 s1, s0  }
0xc1: {  	s0 =	sadd.s32 $0x8F2B, s0  }
0xc2: {  	[sflag:s0] =	ssyncadd.remote.s32 $0x1  }
0xc3: {  	_ =	sfence.sel $0xFFFF  }
0xc4: {  	[dreg:$0x0] =	wrdreg $0xFFFFFFFF;
	(pc) =	sbr.abs _section_cstart, $3  }
0xc5: {  	[dreg:$0x1] =	wrdreg $0xFFFFFFFF  }
0xc6: {  	_ =	task.clear_ibuf [dreg:s10], $0x2FFFF;
	_ =	strace $0x9FFFFFFF  }
0xc7: {  	(tm) =	ssettm $0x7FFFFFFF  }
tec
execute0_lowered:
.L_overlay_start_1:
0x0: {  	(tag) =	ssettag $0x1  }
0x1: {  	s1 =	rddreg [dreg:$0x0]  }
0x2: {  	s6 =	rddreg [dreg:$0x1]  }
0x3: {  	s2 =	rddreg [dreg:$0x2]  }
0x4: {  	s3 =	rddreg [dreg:$0x3]  }
0x5: {  	s0 =	rddreg [dreg:$0x4]  }
0x6: {  	s4 =	simm.s32 $0x0;
	s5 =	srdreg.scid;
	s10 =	simm.s32 $0x80  }
0x7: {  	s11 =	simm.s32 $0x200;
	s12 =	simm.s32 $0x4200;
	s13 =	simm.s32 $0x100  }
0x8: {  	s14 =	simm.s32 $0x8200;
	s15 =	simm.s32 $0x180;
	s16 =	simm.s32 $0xC200  }
0x9: {  	s17 =	simm.s32 $0x6;
	s18 =	simm.s32 $0x1;
	s19 =	simm.s32 $0x2  }
0xa: {  	s20 =	simm.s32 $0x3;
	s21 =	simm.s32 $0x4;
	s22 =	simm.s32 $0x7  }
0xb: {  	s23 =	simm.s32 $0x0;
	[smem:$0x7FF] =	sst s4;
	s7 =	sand.u32 $0x1, s5  }
0xc: {  	s5 =	stileid.u32;
	s8 =	ssub.s32 $0x2, s7;
	s7 =	sshll.u32 s7, $0x6  }
0xd: {  	s31 =	sshll.u32 s5, $0x7;
	s9 =	sshrl.u32 s8, $0x1;
	s6 =	sadd.s32 s6, s7  }
0xe: {  	_ =	strace $0x80000047;
	s8 =	ssub.s32 s8, s9;
	s6 =	sadd.s32 s31, s6  }
0xf: {  	s9 =	simm.s32 $0x5;
	s7 =	smax.u32 s8, $0x1;
	s8 =	simm.s32 $0x10200  }
.LBB2_1:
0x10: {  	[tilespmem:s8], [sflag:$0x6] =	stream.linear.gather [hbm4b:s1+s4], $0x80, $0x38;
	[tilespmem:$0x10280] =	vst v63  }
0x11: {  	_ = 	snop  }
0x12: {  	[tilespmem:s4], [sflag:$0x5] =	stream.linear.gather [hbm4b:s6+s4], $0x200, $0x38;
	[tilespmem:$0x10280] =	vst v63  }
0x13: {  	_ =	swait.ge [sflag:s9], $0x200  }
0x14: {  	[sflag:s9] =	ssyncset.done $0x0  }
0x15: {  	[sflag:s9] =	ssyncadd.s32 $0xFFFFFE00  }
0x16: {  	[tilespmem:s11], [sflag:$0x1] =	stream.indirect.gather [hbm4b:s2+s10], $0x80, s4, s10, $0xb8;
	[tilespmem:$0x10280] =	vst v63  }
0x17: {  	_ = 	snop  }
0x18: {  	[tilespmem:s12], [sflag:$0x2] =	stream.indirect.gather [hbm4b:s2+s10], $0x80, s10, s10, $0xb8;
	[tilespmem:$0x10280] =	vst v63  }
0x19: {  	_ = 	snop  }
0x1a: {  	[tilespmem:s14], [sflag:$0x3] =	stream.indirect.gather [hbm4b:s2+s10], $0x80, s13, s10, $0xb8;
	[tilespmem:$0x10280] =	vst v63  }
0x1b: {  	_ = 	snop  }
0x1c: {  	[tilespmem:s16], [sflag:$0x4] =	stream.indirect.gather [hbm4b:s2+s10], $0x80, s15, s10, $0xb8;
	[tilespmem:$0x10280] =	vst v63  }
0x1d: {  	_ =	swait.ge [sflag:s17], $0x80  }
0x1e: {  	[sflag:s17] =	ssyncset.done $0x0  }
0x1f: {  	[sflag:s17] =	ssyncadd.s32 $0xFFFFFF80  }
0x20: {  	v7 =	vld [tilespmem:$0x10200]  }
0x21: {  	v1 =	vld [tilespmem:$0x10210]  }
0x22: {  	v2 =	vld [tilespmem:$0x10220]  }
0x23: {  	v3 =	vld [tilespmem:$0x10230]  }
0x24: {  	v4 =	vld [tilespmem:$0x10240]  }
0x25: {  	v5 =	vld [tilespmem:$0x10250]  }
0x26: {  	v6 =	vld [tilespmem:$0x10260]  }
0x27: {  	v0 =	vld [tilespmem:$0x10270];
	_ =	swait.ge [sflag:s18], $0x4000  }
0x28: {  	[sflag:s18] =	ssyncset.done $0x0  }
0x29: {  	s24 =	simm.s32 $0x400;
	[sflag:s18] =	ssyncadd.s32 $0xFFFFC000  }
0x2a: {  	v8 =	vld [tilespmem:s24+$0x1F0]  }
0x2b: {  	v9 =	vld [tilespmem:s24+$0xFFFFFE10]  }
0x2c: {  	v10 =	vld [tilespmem:s24+$0xFFFFFE20]  }
0x2d: {  	v11 =	vld [tilespmem:s24+$0xFFFFFE30]  }
0x2e: {  	v12 =	vld [tilespmem:s24+$0xFFFFFE40]  }
0x2f: {  	v13 =	vld [tilespmem:s24+$0xFFFFFE50];
	v0 =	vmul.f32 $1.000000010e-01, v0;
	v8 =	vmul.f32 $8.999999760e-01, v8  }
0x30: {  	v14 =	vld [tilespmem:s24+$0xFFFFFE60];
	v1 =	vmul.f32 $1.000000010e-01, v1;
	v9 =	vmul.f32 $8.999999760e-01, v9  }
0x31: {  	v15 =	vld [tilespmem:s24+$0xFFFFFE70];
	v2 =	vmul.f32 $1.000000010e-01, v2;
	v10 =	vmul.f32 $8.999999760e-01, v10;
	v8 =	vadd.f32 v8, v0  }
0x32: {  	v16 =	vld [tilespmem:s24+$0xFFFFFE80];
	v3 =	vmul.f32 $1.000000010e-01, v3;
	v11 =	vmul.f32 $8.999999760e-01, v11;
	v9 =	vadd.f32 v9, v1  }
0x33: {  	v17 =	vld [tilespmem:s24+$0xFFFFFE90];
	v4 =	vmul.f32 $1.000000010e-01, v4;
	v12 =	vmul.f32 $8.999999760e-01, v12;
	v10 =	vadd.f32 v10, v2;
	[tilespmem:s24+$0x1F0] =	vst v8  }
0x34: {  	v5 =	vmul.f32 $1.000000010e-01, v5;
	[tilespmem:s24+$0xFFFFFE10] =	vst v9;
	v8 =	vadd.f32 v11, v3;
	v9 =	vmul.f32 $8.999999760e-01, v13;
	v11 =	vld [tilespmem:s24+$0xFFFFFEA0]  }
0x35: {  	v6 =	vmul.f32 $1.000000010e-01, v6;
	[tilespmem:s24+$0xFFFFFE20] =	vst v10;
	v10 =	vadd.f32 v12, v4;
	v12 =	vmul.f32 $8.999999760e-01, v14;
	v13 =	vld [tilespmem:s24+$0xFFFFFEB0]  }
0x36: {  	v14 =	vld [tilespmem:s24+$0xFFFFFEC0];
	[tilespmem:s24+$0xFFFFFE30] =	vst v8;
	v8 =	vadd.f32 v9, v5;
	v9 =	vmul.f32 $8.999999760e-01, v15  }
0x37: {  	v7 =	vmul.f32 $1.000000010e-01, v7;
	[tilespmem:s24+$0xFFFFFE40] =	vst v10;
	v10 =	vadd.f32 v12, v6;
	v12 =	vmul.f32 $8.999999760e-01, v16;
	v15 =	vld [tilespmem:s24+$0xFFFFFED0]  }
0x38: {  	v16 =	vld [tilespmem:s24+$0xFFFFFEE0];
	[tilespmem:s24+$0xFFFFFE50] =	vst v8;
	v8 =	vadd.f32 v9, v0;
	v9 =	vmul.f32 $8.999999760e-01, v17  }
0x39: {  	[tilespmem:s24+$0xFFFFFE60] =	vst v10;
	v10 =	vadd.f32 v12, v7;
	v12 =	vld [tilespmem:s24+$0xFFFFFEF0];
	v11 =	vmul.f32 $8.999999760e-01, v11  }
0x3a: {  	[tilespmem:s24+$0xFFFFFE70] =	vst v8;
	v8 =	vadd.f32 v9, v1;
	v9 =	vmul.f32 $8.999999760e-01, v13;
	v13 =	vld [tilespmem:s24+$0xFFFFFF00]  }
0x3b: {  	[tilespmem:s24+$0xFFFFFE80] =	vst v10;
	v10 =	vadd.f32 v11, v2;
	v11 =	vmul.f32 $8.999999760e-01, v14;
	v14 =	vld [tilespmem:s24+$0xFFFFFF10]  }
0x3c: {  	[tilespmem:s24+$0xFFFFFE90] =	vst v8;
	v8 =	vadd.f32 v9, v3;
	v9 =	vmul.f32 $8.999999760e-01, v15;
	v15 =	vld [tilespmem:s24+$0xFFFFFF20]  }
0x3d: {  	[tilespmem:s24+$0xFFFFFEA0] =	vst v10;
	v10 =	vadd.f32 v11, v4;
	v11 =	vmul.f32 $8.999999760e-01, v16;
	v16 =	vld [tilespmem:s24+$0xFFFFFF30]  }
0x3e: {  	[tilespmem:s24+$0xFFFFFEB0] =	vst v8;
	v8 =	vadd.f32 v9, v5;
	v9 =	vmul.f32 $8.999999760e-01, v12;
	v12 =	vld [tilespmem:s24+$0xFFFFFF40]  }
0x3f: {  	[tilespmem:s24+$0xFFFFFEC0] =	vst v10;
	v10 =	vadd.f32 v11, v6;
	v11 =	vmul.f32 $8.999999760e-01, v13;
	v13 =	vld [tilespmem:s24+$0xFFFFFF50]  }
0x40: {  	[tilespmem:s24+$0xFFFFFED0] =	vst v8;
	v8 =	vadd.f32 v9, v0;
	v9 =	vmul.f32 $8.999999760e-01, v14;
	v14 =	vld [tilespmem:s24+$0xFFFFFF60]  }
0x41: {  	[tilespmem:s24+$0xFFFFFEE0] =	vst v10;
	v10 =	vadd.f32 v11, v7;
	v11 =	vmul.f32 $8.999999760e-01, v15;
	v15 =	vld [tilespmem:s24+$0xFFFFFF70]  }
0x42: {  	[tilespmem:s24+$0xFFFFFEF0] =	vst v8;
	v8 =	vadd.f32 v9, v1;
	v9 =	vmul.f32 $8.999999760e-01, v16;
	v16 =	vld [tilespmem:s24+$0xFFFFFF80]  }
0x43: {  	[tilespmem:s24+$0xFFFFFF00] =	vst v10;
	v10 =	vadd.f32 v11, v2;
	v11 =	vmul.f32 $8.999999760e-01, v12;
	v12 =	vld [tilespmem:s24+$0xFFFFFF90]  }
0x44: {  	[tilespmem:s24+$0xFFFFFF10] =	vst v8;
	v8 =	vadd.f32 v9, v3;
	v9 =	vmul.f32 $8.999999760e-01, v13;
	v13 =	vld [tilespmem:s24+$0xFFFFFFA0]  }
0x45: {  	[tilespmem:s24+$0xFFFFFF20] =	vst v10;
	v10 =	vadd.f32 v11, v4;
	v11 =	vmul.f32 $8.999999760e-01, v14;
	v14 =	vld [tilespmem:s24+$0xFFFFFFB0]  }
0x46: {  	[tilespmem:s24+$0xFFFFFF30] =	vst v8;
	v8 =	vadd.f32 v9, v5;
	v9 =	vmul.f32 $8.999999760e-01, v15;
	v15 =	vld [tilespmem:s24+$0xFFFFFFC0]  }
0x47: {  	[tilespmem:s24+$0xFFFFFF40] =	vst v10;
	v10 =	vadd.f32 v11, v6;
	v11 =	vmul.f32 $8.999999760e-01, v16;
	v16 =	vld [tilespmem:s24+$0xFFFFFFD0]  }
0x48: {  	[tilespmem:s24+$0xFFFFFF50] =	vst v8;
	v8 =	vadd.f32 v9, v0;
	v9 =	vmul.f32 $8.999999760e-01, v12;
	v12 =	vld [tilespmem:s24+$0xFFFFFFE0]  }
0x49: {  	[tilespmem:s24+$0xFFFFFF60] =	vst v10;
	v10 =	vadd.f32 v11, v7;
	v11 =	vmul.f32 $8.999999760e-01, v13;
	v13 =	vld [tilespmem:s24+$0xFFFFFFF0]  }
0x4a: {  	[tilespmem:s24+$0xFFFFFF70] =	vst v8;
	v8 =	vadd.f32 v9, v1;
	v9 =	vmul.f32 $8.999999760e-01, v14;
	v14 =	vld [tilespmem:s24+$0x0]  }
0x4b: {  	[tilespmem:s24+$0xFFFFFF80] =	vst v10;
	v10 =	vadd.f32 v11, v2;
	v11 =	vmul.f32 $8.999999760e-01, v15;
	v15 =	vld [tilespmem:s24+$0x10]  }
0x4c: {  	[tilespmem:s24+$0xFFFFFF90] =	vst v8;
	v8 =	vadd.f32 v9, v3;
	v9 =	vmul.f32 $8.999999760e-01, v16;
	v16 =	vld [tilespmem:s24+$0x20]  }
0x4d: {  	[tilespmem:s24+$0xFFFFFFA0] =	vst v10;
	v10 =	vadd.f32 v11, v4;
	v11 =	vmul.f32 $8.999999760e-01, v12;
	v12 =	vld [tilespmem:s24+$0x30]  }
0x4e: {  	[tilespmem:s24+$0xFFFFFFB0] =	vst v8;
	v8 =	vadd.f32 v9, v5;
	v9 =	vmul.f32 $8.999999760e-01, v13;
	v13 =	vld [tilespmem:s24+$0x40]  }
0x4f: {  	[tilespmem:s24+$0xFFFFFFC0] =	vst v10;
	v10 =	vadd.f32 v11, v6;
	v11 =	vmul.f32 $8.999999760e-01, v14;
	v14 =	vld [tilespmem:s24+$0x50]  }
0x50: {  	[tilespmem:s24+$0xFFFFFFD0] =	vst v8;
	v8 =	vadd.f32 v9, v0;
	v9 =	vmul.f32 $8.999999760e-01, v15;
	v15 =	vld [tilespmem:s24+$0x60]  }
0x51: {  	[tilespmem:s24+$0xFFFFFFE0] =	vst v10;
	v10 =	vadd.f32 v11, v7;
	v11 =	vmul.f32 $8.999999760e-01, v16;
	v16 =	vld [tilespmem:s24+$0x70]  }
0x52: {  	[tilespmem:s24+$0xFFFFFFF0] =	vst v8;
	v8 =	vadd.f32 v9, v1;
	v9 =	vmul.f32 $8.999999760e-01, v12;
	v12 =	vld [tilespmem:s24+$0x80]  }
0x53: {  	[tilespmem:s24+$0x0] =	vst v10;
	v10 =	vadd.f32 v11, v2;
	v11 =	vmul.f32 $8.999999760e-01, v13;
	v13 =	vld [tilespmem:s24+$0x90]  }
0x54: {  	[tilespmem:s24+$0x10] =	vst v8;
	v8 =	vadd.f32 v9, v3;
	v9 =	vmul.f32 $8.999999760e-01, v14;
	v14 =	vld [tilespmem:s24+$0xA0]  }
0x55: {  	[tilespmem:s24+$0x20] =	vst v10;
	v10 =	vadd.f32 v11, v4;
	v11 =	vmul.f32 $8.999999760e-01, v15;
	v15 =	vld [tilespmem:s24+$0xB0]  }
0x56: {  	[tilespmem:s24+$0x30] =	vst v8;
	v8 =	vadd.f32 v9, v5;
	v9 =	vmul.f32 $8.999999760e-01, v16;
	v16 =	vld [tilespmem:s24+$0xC0]  }
0x57: {  	[tilespmem:s24+$0x40] =	vst v10;
	v10 =	vadd.f32 v11, v6;
	v11 =	vmul.f32 $8.999999760e-01, v12;
	v12 =	vld [tilespmem:s24+$0xD0]  }
0x58: {  	[tilespmem:s24+$0x50] =	vst v8;
	v8 =	vadd.f32 v9, v0;
	v9 =	vmul.f32 $8.999999760e-01, v13;
	v13 =	vld [tilespmem:s24+$0xE0]  }
0x59: {  	[tilespmem:s24+$0x60] =	vst v10;
	v10 =	vadd.f32 v11, v7;
	v11 =	vmul.f32 $8.999999760e-01, v14;
	v14 =	vld [tilespmem:s24+$0xF0]  }
0x5a: {  	[tilespmem:s24+$0x70] =	vst v8;
	v8 =	vadd.f32 v9, v1;
	v9 =	vmul.f32 $8.999999760e-01, v15;
	v15 =	vld [tilespmem:s24+$0x100]  }
0x5b: {  	[tilespmem:s24+$0x80] =	vst v10;
	v10 =	vadd.f32 v11, v2;
	v11 =	vmul.f32 $8.999999760e-01, v16;
	v16 =	vld [tilespmem:s24+$0x110]  }
0x5c: {  	[tilespmem:s24+$0x90] =	vst v8;
	v8 =	vadd.f32 v9, v3;
	v9 =	vmul.f32 $8.999999760e-01, v12;
	v12 =	vld [tilespmem:s24+$0x120]  }
0x5d: {  	[tilespmem:s24+$0xA0] =	vst v10;
	v10 =	vadd.f32 v11, v4;
	v11 =	vmul.f32 $8.999999760e-01, v13;
	v13 =	vld [tilespmem:s24+$0x130]  }
0x5e: {  	[tilespmem:s24+$0xB0] =	vst v8;
	v8 =	vadd.f32 v9, v5;
	v9 =	vmul.f32 $8.999999760e-01, v14;
	v14 =	vld [tilespmem:s24+$0x140]  }
0x5f: {  	[tilespmem:s24+$0xC0] =	vst v10;
	v10 =	vadd.f32 v11, v6;
	v11 =	vmul.f32 $8.999999760e-01, v15;
	v15 =	vld [tilespmem:s24+$0x150]  }
0x60: {  	[tilespmem:s24+$0xD0] =	vst v8;
	v8 =	vadd.f32 v9, v0;
	v9 =	vmul.f32 $8.999999760e-01, v16;
	v16 =	vld [tilespmem:s24+$0x160]  }
0x61: {  	[tilespmem:s24+$0xE0] =	vst v10;
	v10 =	vadd.f32 v11, v7;
	v11 =	vmul.f32 $8.999999760e-01, v12;
	v12 =	vld [tilespmem:s24+$0x170]  }
0x62: {  	[tilespmem:s24+$0xF0] =	vst v8;
	v8 =	vadd.f32 v9, v1;
	v9 =	vmul.f32 $8.999999760e-01, v13;
	v13 =	vld [tilespmem:s24+$0x180]  }
0x63: {  	[tilespmem:s24+$0x100] =	vst v10;
	v10 =	vadd.f32 v11, v2;
	v11 =	vmul.f32 $8.999999760e-01, v14;
	v14 =	vld [tilespmem:s24+$0x190]  }
0x64: {  	v17 =	vld [tilespmem:s24+$0x1A0];
	[tilespmem:s24+$0x110] =	vst v8;
	v9 =	vadd.f32 v9, v3;
	v15 =	vmul.f32 $8.999999760e-01, v15  }
0x65: {  	v8 =	vld [tilespmem:s24+$0x1B0];
	[tilespmem:s24+$0x120] =	vst v10;
	v10 =	vadd.f32 v11, v4;
	v11 =	vmul.f32 $8.999999760e-01, v16  }
0x66: {  	[tilespmem:s24+$0x130] =	vst v9;
	v15 =	vadd.f32 v15, v5;
	v12 =	vmul.f32 $8.999999760e-01, v12;
	v9 =	vld [tilespmem:s24+$0x1C0]  }
0x67: {  	[tilespmem:s24+$0x140] =	vst v10;
	v16 =	vadd.f32 v11, v6;
	v18 =	vmul.f32 $8.999999760e-01, v13;
	v10 =	vld [tilespmem:s24+$0x1D0]  }
0x68: {  	v11 =	vld [tilespmem:s24+$0x1E0];
	[tilespmem:s24+$0x150] =	vst v15;
	v13 =	vadd.f32 v12, v0;
	v14 =	vmul.f32 $8.999999760e-01, v14  }
0x69: {  	s25 =	simm.s32 $0x0;
	s26 =	simm.s32 $0x800;
	v12 =	vld [tilespmem:s24+$0xFFFFFE00];
	[tilespmem:s24+$0x160] =	vst v16;
	v15 =	vadd.f32 v18, v7;
	v16 =	vmul.f32 $8.999999760e-01, v17  }
.LBB2_2:
0x6a: {  	v17 =	vld [tilespmem:s26+$0x1F0];
	s25 =	sadd.s32 $0x8, s25;
	[tilespmem:s24+$0x170] =	vst v13;
	v13 =	vadd.f32 v14, v1;
	v8 =	vmul.f32 $8.999999760e-01, v8  }
0x6b: {  	v14 =	vld [tilespmem:s26+$0xFFFFFE10];
	p0 =	slt.u32 s25, $0x78;
	[tilespmem:s24+$0x180] =	vst v15;
	v15 =	vadd.f32 v16, v2;
	v9 =	vmul.f32 $8.999999760e-01, v9  }
0x6c: {  	v16 =	vld [tilespmem:s26+$0xFFFFFE20];
	[tilespmem:s24+$0x190] =	vst v13;
	v8 =	vadd.f32 v8, v3;
	v10 =	vmul.f32 $8.999999760e-01, v10  }
0x6d: {  	v13 =	vld [tilespmem:s26+$0xFFFFFE30];
	[tilespmem:s24+$0x1A0] =	vst v15;
	v9 =	vadd.f32 v9, v4;
	v11 =	vmul.f32 $8.999999760e-01, v11  }
0x6e: {  	v15 =	vld [tilespmem:s26+$0xFFFFFE40];
	v12 =	vmul.f32 $8.999999760e-01, v12;
	[tilespmem:s24+$0x1B0] =	vst v8;
	v8 =	vadd.f32 v10, v5  }
0x6f: {  	v10 =	vld [tilespmem:s26+$0xFFFFFE50];
	v17 =	vmul.f32 $8.999999760e-01, v17;
	[tilespmem:s24+$0x1C0] =	vst v9;
	v9 =	vadd.f32 v11, v6  }
0x70: {  	v11 =	vmul.f32 $8.999999760e-01, v14;
	v14 =	vld [tilespmem:s26+$0xFFFFFE60];
	v12 =	vadd.f32 v12, v7;
	[tilespmem:s24+$0x1D0] =	vst v8  }
0x71: {  	v8 =	vmul.f32 $8.999999760e-01, v16;
	v16 =	vld [tilespmem:s26+$0xFFFFFE70];
	v17 =	vadd.f32 v17, v0;
	[tilespmem:s24+$0x1E0] =	vst v9  }
0x72: {  	v9 =	vadd.f32 v11, v1;
	v11 =	vmul.f32 $8.999999760e-01, v13;
	v13 =	vld [tilespmem:s26+$0xFFFFFE80];
	[tilespmem:s24+$0xFFFFFE00] =	vst v12;
	s24 =	smov.u32 s26  }
0x73: {  	v8 =	vadd.f32 v8, v2;
	v12 =	vmul.f32 $8.999999760e-01, v15;
	v15 =	vld [tilespmem:s26+$0xFFFFFE90];
	[tilespmem:s26+$0x1F0] =	vst v17  }
0x74: {  	[tilespmem:s26+$0xFFFFFE10] =	vst v9;
	v9 =	vadd.f32 v11, v3;
	v10 =	vmul.f32 $8.999999760e-01, v10;
	v11 =	vld [tilespmem:s26+$0xFFFFFEA0]  }
0x75: {  	[tilespmem:s26+$0xFFFFFE20] =	vst v8;
	v8 =	vadd.f32 v12, v4;
	v12 =	vmul.f32 $8.999999760e-01, v14;
	v14 =	vld [tilespmem:s26+$0xFFFFFEB0]  }
0x76: {  	[tilespmem:s26+$0xFFFFFE30] =	vst v9;
	v9 =	vadd.f32 v10, v5;
	v10 =	vmul.f32 $8.999999760e-01, v16;
	v16 =	vld [tilespmem:s26+$0xFFFFFEC0]  }
0x77: {  	[tilespmem:s26+$0xFFFFFE40] =	vst v8;
	v8 =	vadd.f32 v12, v6;
	v12 =	vmul.f32 $8.999999760e-01, v13;
	v13 =	vld [tilespmem:s26+$0xFFFFFED0]  }
0x78: {  	[tilespmem:s26+$0xFFFFFE50] =	vst v9;
	v9 =	vadd.f32 v10, v0;
	v10 =	vmul.f32 $8.999999760e-01, v15;
	v15 =	vld [tilespmem:s26+$0xFFFFFEE0]  }
0x79: {  	[tilespmem:s26+$0xFFFFFE60] =	vst v8;
	v8 =	vadd.f32 v12, v7;
	v11 =	vmul.f32 $8.999999760e-01, v11;
	v12 =	vld [tilespmem:s26+$0xFFFFFEF0]  }
0x7a: {  	[tilespmem:s26+$0xFFFFFE70] =	vst v9;
	v9 =	vadd.f32 v10, v1;
	v10 =	vmul.f32 $8.999999760e-01, v14;
	v14 =	vld [tilespmem:s26+$0xFFFFFF00]  }
0x7b: {  	[tilespmem:s26+$0xFFFFFE80] =	vst v8;
	v8 =	vadd.f32 v11, v2;
	v11 =	vmul.f32 $8.999999760e-01, v16;
	v16 =	vld [tilespmem:s26+$0xFFFFFF10]  }
0x7c: {  	[tilespmem:s26+$0xFFFFFE90] =	vst v9;
	v9 =	vadd.f32 v10, v3;
	v10 =	vmul.f32 $8.999999760e-01, v13;
	v13 =	vld [tilespmem:s26+$0xFFFFFF20]  }
0x7d: {  	[tilespmem:s26+$0xFFFFFEA0] =	vst v8;
	v8 =	vadd.f32 v11, v4;
	v11 =	vmul.f32 $8.999999760e-01, v15;
	v15 =	vld [tilespmem:s26+$0xFFFFFF30]  }
0x7e: {  	[tilespmem:s26+$0xFFFFFEB0] =	vst v9;
	v9 =	vadd.f32 v10, v5;
	v10 =	vmul.f32 $8.999999760e-01, v12;
	v12 =	vld [tilespmem:s26+$0xFFFFFF40]  }
0x7f: {  	[tilespmem:s26+$0xFFFFFEC0] =	vst v8;
	v8 =	vadd.f32 v11, v6;
	v11 =	vmul.f32 $8.999999760e-01, v14;
	v14 =	vld [tilespmem:s26+$0xFFFFFF50]  }
0x80: {  	[tilespmem:s26+$0xFFFFFED0] =	vst v9;
	v9 =	vadd.f32 v10, v0;
	v10 =	vmul.f32 $8.999999760e-01, v16;
	v16 =	vld [tilespmem:s26+$0xFFFFFF60]  }
0x81: {  	[tilespmem:s26+$0xFFFFFEE0] =	vst v8;
	v8 =	vadd.f32 v11, v7;
	v11 =	vmul.f32 $8.999999760e-01, v13;
	v13 =	vld [tilespmem:s26+$0xFFFFFF70]  }
0x82: {  	[tilespmem:s26+$0xFFFFFEF0] =	vst v9;
	v9 =	vadd.f32 v10, v1;
	v10 =	vmul.f32 $8.999999760e-01, v15;
	v15 =	vld [tilespmem:s26+$0xFFFFFF80]  }
0x83: {  	[tilespmem:s26+$0xFFFFFF00] =	vst v8;
	v8 =	vadd.f32 v11, v2;
	v11 =	vmul.f32 $8.999999760e-01, v12;
	v12 =	vld [tilespmem:s26+$0xFFFFFF90]  }
0x84: {  	[tilespmem:s26+$0xFFFFFF10] =	vst v9;
	v9 =	vadd.f32 v10, v3;
	v10 =	vmul.f32 $8.999999760e-01, v14;
	v14 =	vld [tilespmem:s26+$0xFFFFFFA0]  }
0x85: {  	[tilespmem:s26+$0xFFFFFF20] =	vst v8;
	v8 =	vadd.f32 v11, v4;
	v11 =	vmul.f32 $8.999999760e-01, v16;
	v16 =	vld [tilespmem:s26+$0xFFFFFFB0]  }
0x86: {  	[tilespmem:s26+$0xFFFFFF30] =	vst v9;
	v9 =	vadd.f32 v10, v5;
	v10 =	vmul.f32 $8.999999760e-01, v13;
	v13 =	vld [tilespmem:s26+$0xFFFFFFC0]  }
0x87: {  	[tilespmem:s26+$0xFFFFFF40] =	vst v8;
	v8 =	vadd.f32 v11, v6;
	v11 =	vmul.f32 $8.999999760e-01, v15;
	v15 =	vld [tilespmem:s26+$0xFFFFFFD0]  }
0x88: {  	[tilespmem:s26+$0xFFFFFF50] =	vst v9;
	v9 =	vadd.f32 v10, v0;
	v10 =	vmul.f32 $8.999999760e-01, v12;
	v12 =	vld [tilespmem:s26+$0xFFFFFFE0]  }
0x89: {  	[tilespmem:s26+$0xFFFFFF60] =	vst v8;
	v8 =	vadd.f32 v11, v7;
	v11 =	vmul.f32 $8.999999760e-01, v14;
	v14 =	vld [tilespmem:s26+$0xFFFFFFF0]  }
0x8a: {  	[tilespmem:s26+$0xFFFFFF70] =	vst v9;
	v9 =	vadd.f32 v10, v1;
	v10 =	vmul.f32 $8.999999760e-01, v16;
	v16 =	vld [tilespmem:s26+$0x0]  }
0x8b: {  	[tilespmem:s26+$0xFFFFFF80] =	vst v8;
	v8 =	vadd.f32 v11, v2;
	v11 =	vmul.f32 $8.999999760e-01, v13;
	v13 =	vld [tilespmem:s26+$0x10]  }
0x8c: {  	[tilespmem:s26+$0xFFFFFF90] =	vst v9;
	v9 =	vadd.f32 v10, v3;
	v10 =	vmul.f32 $8.999999760e-01, v15;
	v15 =	vld [tilespmem:s26+$0x20]  }
0x8d: {  	[tilespmem:s26+$0xFFFFFFA0] =	vst v8;
	v8 =	vadd.f32 v11, v4;
	v11 =	vmul.f32 $8.999999760e-01, v12;
	v12 =	vld [tilespmem:s26+$0x30]  }
0x8e: {  	[tilespmem:s26+$0xFFFFFFB0] =	vst v9;
	v9 =	vadd.f32 v10, v5;
	v10 =	vmul.f32 $8.999999760e-01, v14;
	v14 =	vld [tilespmem:s26+$0x40]  }
0x8f: {  	[tilespmem:s26+$0xFFFFFFC0] =	vst v8;
	v8 =	vadd.f32 v11, v6;
	v11 =	vmul.f32 $8.999999760e-01, v16;
	v16 =	vld [tilespmem:s26+$0x50]  }
0x90: {  	[tilespmem:s26+$0xFFFFFFD0] =	vst v9;
	v9 =	vadd.f32 v10, v0;
	v10 =	vmul.f32 $8.999999760e-01, v13;
	v13 =	vld [tilespmem:s26+$0x60]  }
0x91: {  	[tilespmem:s26+$0xFFFFFFE0] =	vst v8;
	v8 =	vadd.f32 v11, v7;
	v11 =	vmul.f32 $8.999999760e-01, v15;
	v15 =	vld [tilespmem:s26+$0x70]  }
0x92: {  	[tilespmem:s26+$0xFFFFFFF0] =	vst v9;
	v9 =	vadd.f32 v10, v1;
	v10 =	vmul.f32 $8.999999760e-01, v12;
	v12 =	vld [tilespmem:s26+$0x80]  }
0x93: {  	[tilespmem:s26+$0x0] =	vst v8;
	v8 =	vadd.f32 v11, v2;
	v11 =	vmul.f32 $8.999999760e-01, v14;
	v14 =	vld [tilespmem:s26+$0x90]  }
0x94: {  	[tilespmem:s26+$0x10] =	vst v9;
	v9 =	vadd.f32 v10, v3;
	v10 =	vmul.f32 $8.999999760e-01, v16;
	v16 =	vld [tilespmem:s26+$0xA0]  }
0x95: {  	[tilespmem:s26+$0x20] =	vst v8;
	v8 =	vadd.f32 v11, v4;
	v11 =	vmul.f32 $8.999999760e-01, v13;
	v13 =	vld [tilespmem:s26+$0xB0]  }
0x96: {  	[tilespmem:s26+$0x30] =	vst v9;
	v9 =	vadd.f32 v10, v5;
	v10 =	vmul.f32 $8.999999760e-01, v15;
	v15 =	vld [tilespmem:s26+$0xC0]  }
0x97: {  	[tilespmem:s26+$0x40] =	vst v8;
	v8 =	vadd.f32 v11, v6;
	v11 =	vmul.f32 $8.999999760e-01, v12;
	v12 =	vld [tilespmem:s26+$0xD0]  }
0x98: {  	[tilespmem:s26+$0x50] =	vst v9;
	v9 =	vadd.f32 v10, v0;
	v10 =	vmul.f32 $8.999999760e-01, v14;
	v14 =	vld [tilespmem:s26+$0xE0]  }
0x99: {  	[tilespmem:s26+$0x60] =	vst v8;
	v8 =	vadd.f32 v11, v7;
	v11 =	vmul.f32 $8.999999760e-01, v16;
	v16 =	vld [tilespmem:s26+$0xF0]  }
0x9a: {  	[tilespmem:s26+$0x70] =	vst v9;
	v9 =	vadd.f32 v10, v1;
	v10 =	vmul.f32 $8.999999760e-01, v13;
	v13 =	vld [tilespmem:s26+$0x100]  }
0x9b: {  	[tilespmem:s26+$0x80] =	vst v8;
	v8 =	vadd.f32 v11, v2;
	v11 =	vmul.f32 $8.999999760e-01, v15;
	v15 =	vld [tilespmem:s26+$0x110]  }
0x9c: {  	[tilespmem:s26+$0x90] =	vst v9;
	v9 =	vadd.f32 v10, v3;
	v10 =	vmul.f32 $8.999999760e-01, v12;
	v12 =	vld [tilespmem:s26+$0x120]  }
0x9d: {  	[tilespmem:s26+$0xA0] =	vst v8;
	v8 =	vadd.f32 v11, v4;
	v11 =	vmul.f32 $8.999999760e-01, v14;
	v14 =	vld [tilespmem:s26+$0x130]  }
0x9e: {  	[tilespmem:s26+$0xB0] =	vst v9;
	v9 =	vadd.f32 v10, v5;
	v10 =	vmul.f32 $8.999999760e-01, v16;
	v16 =	vld [tilespmem:s26+$0x140]  }
0x9f: {  	[tilespmem:s26+$0xC0] =	vst v8;
	v8 =	vadd.f32 v11, v6;
	v11 =	vmul.f32 $8.999999760e-01, v13;
	v13 =	vld [tilespmem:s26+$0x150]  }
0xa0: {  	[tilespmem:s26+$0xD0] =	vst v9;
	v9 =	vadd.f32 v10, v0;
	v10 =	vmul.f32 $8.999999760e-01, v15;
	v15 =	vld [tilespmem:s26+$0x160]  }
0xa1: {  	[tilespmem:s26+$0xE0] =	vst v8;
	v8 =	vadd.f32 v11, v7;
	v11 =	vmul.f32 $8.999999760e-01, v12;
	v12 =	vld [tilespmem:s26+$0x170]  }
0xa2: {  	[tilespmem:s26+$0xF0] =	vst v9;
	v9 =	vadd.f32 v10, v1;
	v10 =	vmul.f32 $8.999999760e-01, v14;
	v14 =	vld [tilespmem:s26+$0x180]  }
0xa3: {  	[tilespmem:s26+$0x100] =	vst v8;
	v8 =	vadd.f32 v11, v2;
	v11 =	vmul.f32 $8.999999760e-01, v16;
	v16 =	vld [tilespmem:s26+$0x190]  }
0xa4: {  	[tilespmem:s26+$0x110] =	vst v9;
	v9 =	vadd.f32 v10, v3;
	v10 =	vmul.f32 $8.999999760e-01, v13;
	v17 =	vld [tilespmem:s26+$0x1A0]  }
.Ltmp0:
0xa5: {  	[tilespmem:s26+$0x120] =	vst v8;
	v11 =	vadd.f32 v11, v4;
	v13 =	vmul.f32 $8.999999760e-01, v15;
	v8 =	vld [tilespmem:s26+$0x1B0];
	(pc) =	sbr.rel @p0 .LBB2_2-.Ltmp0, $4  }
0xa6: {  	[tilespmem:s26+$0x130] =	vst v9;
	v15 =	vadd.f32 v10, v5;
	v12 =	vmul.f32 $8.999999760e-01, v12;
	v9 =	vld [tilespmem:s26+$0x1C0]  }
0xa7: {  	[tilespmem:s26+$0x140] =	vst v11;
	v18 =	vadd.f32 v13, v6;
	v19 =	vmul.f32 $8.999999760e-01, v14;
	v10 =	vld [tilespmem:s26+$0x1D0]  }
0xa8: {  	[tilespmem:s26+$0x150] =	vst v15;
	v13 =	vadd.f32 v12, v0;
	v14 =	vmul.f32 $8.999999760e-01, v16;
	v11 =	vld [tilespmem:s26+$0x1E0]  }
0xa9: {  	s26 =	sadd.s32 $0x400, s26;
	v12 =	vld [tilespmem:s24+$0xFFFFFE00];
	[tilespmem:s24+$0x160] =	vst v18;
	v15 =	vadd.f32 v19, v7;
	v16 =	vmul.f32 $8.999999760e-01, v17  }
0xaa: {  	[tilespmem:s24+$0x170] =	vst v13;
	v13 =	vadd.f32 v14, v1;
	v8 =	vmul.f32 $8.999999760e-01, v8  }
0xab: {  	[tilespmem:s24+$0x180] =	vst v15;
	v14 =	vadd.f32 v16, v2;
	v9 =	vmul.f32 $8.999999760e-01, v9  }
0xac: {  	[tilespmem:s24+$0x190] =	vst v13;
	v8 =	vadd.f32 v8, v3;
	v10 =	vmul.f32 $8.999999760e-01, v10  }
0xad: {  	[tilespmem:s24+$0x1A0] =	vst v14;
	v9 =	vadd.f32 v9, v4;
	v11 =	vmul.f32 $8.999999760e-01, v11  }
0xae: {  	v12 =	vmul.f32 $8.999999760e-01, v12;
	[tilespmem:s24+$0x1B0] =	vst v8;
	v8 =	vadd.f32 v10, v5  }
0xaf: {  	[tilespmem:s24+$0x1C0] =	vst v9;
	v9 =	vadd.f32 v11, v6  }
0xb0: {  	v10 =	vadd.f32 v12, v7;
	[tilespmem:s24+$0x1D0] =	vst v8  }
0xb1: {  	[tilespmem:s24+$0x1E0] =	vst v9  }
0xb2: {  	[tilespmem:s24+$0xFFFFFE00] =	vst v10  }
0xb3: {  	[hbm4b:s3+s10] =	stream.indirect.scatter [tilespmem:s11], [sflag:$0x7], $0x80, s4, s10, $0xb8;
	[tilespmem:$0x10280] =	vst v63  }
0xb4: {  	_ =	swait.ge [sflag:s19], $0x4000  }
0xb5: {  	[sflag:s19] =	ssyncset.done $0x0  }
0xb6: {  	s24 =	simm.s32 $0x4200;
	[sflag:s19] =	ssyncadd.s32 $0xFFFFC000  }
0xb7: {  	v8 =	vld [tilespmem:s24+$0x3F0]  }
0xb8: {  	v9 =	vld [tilespmem:s24+$0x10]  }
0xb9: {  	v10 =	vld [tilespmem:s24+$0x20]  }
0xba: {  	v11 =	vld [tilespmem:s24+$0x30]  }
0xbb: {  	v12 =	vld [tilespmem:s24+$0x40]  }
0xbc: {  	v13 =	vld [tilespmem:s24+$0x50];
	v8 =	vmul.f32 $8.999999760e-01, v8  }
0xbd: {  	v14 =	vld [tilespmem:s24+$0x60];
	v9 =	vmul.f32 $8.999999760e-01, v9  }
0xbe: {  	v15 =	vld [tilespmem:s24+$0x70];
	v10 =	vmul.f32 $8.999999760e-01, v10;
	v8 =	vadd.f32 v8, v0  }
0xbf: {  	v16 =	vld [tilespmem:s24+$0x80];
	v11 =	vmul.f32 $8.999999760e-01, v11;
	v9 =	vadd.f32 v9, v1  }
0xc0: {  	v17 =	vld [tilespmem:s24+$0x90];
	v12 =	vmul.f32 $8.999999760e-01, v12;
	v10 =	vadd.f32 v10, v2;
	[tilespmem:s24+$0x3F0] =	vst v8  }
0xc1: {  	[tilespmem:s24+$0x10] =	vst v9;
	v8 =	vadd.f32 v11, v3;
	v9 =	vmul.f32 $8.999999760e-01, v13;
	v11 =	vld [tilespmem:s24+$0xA0]  }
0xc2: {  	[tilespmem:s24+$0x20] =	vst v10;
	v10 =	vadd.f32 v12, v4;
	v12 =	vmul.f32 $8.999999760e-01, v14;
	v13 =	vld [tilespmem:s24+$0xB0]  }
0xc3: {  	v14 =	vld [tilespmem:s24+$0xC0];
	[tilespmem:s24+$0x30] =	vst v8;
	v8 =	vadd.f32 v9, v5;
	v9 =	vmul.f32 $8.999999760e-01, v15  }
0xc4: {  	[tilespmem:s24+$0x40] =	vst v10;
	v10 =	vadd.f32 v12, v6;
	v12 =	vmul.f32 $8.999999760e-01, v16;
	v15 =	vld [tilespmem:s24+$0xD0]  }
0xc5: {  	v16 =	vld [tilespmem:s24+$0xE0];
	[tilespmem:s24+$0x50] =	vst v8;
	v8 =	vadd.f32 v9, v0;
	v9 =	vmul.f32 $8.999999760e-01, v17  }
0xc6: {  	[tilespmem:s24+$0x60] =	vst v10;
	v10 =	vadd.f32 v12, v7;
	v12 =	vld [tilespmem:s24+$0xF0];
	v11 =	vmul.f32 $8.999999760e-01, v11  }
0xc7: {  	[tilespmem:s24+$0x70] =	vst v8;
	v8 =	vadd.f32 v9, v1;
	v9 =	vmul.f32 $8.999999760e-01, v13;
	v13 =	vld [tilespmem:s24+$0x100]  }
0xc8: {  	[tilespmem:s24+$0x80] =	vst v10;
	v10 =	vadd.f32 v11, v2;
	v11 =	vmul.f32 $8.999999760e-01, v14;
	v14 =	vld [tilespmem:s24+$0x110]  }
0xc9: {  	[tilespmem:s24+$0x90] =	vst v8;
	v8 =	vadd.f32 v9, v3;
	v9 =	vmul.f32 $8.999999760e-01, v15;
	v15 =	vld [tilespmem:s24+$0x120]  }
0xca: {  	[tilespmem:s24+$0xA0] =	vst v10;
	v10 =	vadd.f32 v11, v4;
	v11 =	vmul.f32 $8.999999760e-01, v16;
	v16 =	vld [tilespmem:s24+$0x130]  }
0xcb: {  	[tilespmem:s24+$0xB0] =	vst v8;
	v8 =	vadd.f32 v9, v5;
	v9 =	vmul.f32 $8.999999760e-01, v12;
	v12 =	vld [tilespmem:s24+$0x140]  }
0xcc: {  	[tilespmem:s24+$0xC0] =	vst v10;
	v10 =	vadd.f32 v11, v6;
	v11 =	vmul.f32 $8.999999760e-01, v13;
	v13 =	vld [tilespmem:s24+$0x150]  }
0xcd: {  	[tilespmem:s24+$0xD0] =	vst v8;
	v8 =	vadd.f32 v9, v0;
	v9 =	vmul.f32 $8.999999760e-01, v14;
	v14 =	vld [tilespmem:s24+$0x160]  }
0xce: {  	[tilespmem:s24+$0xE0] =	vst v10;
	v10 =	vadd.f32 v11, v7;
	v11 =	vmul.f32 $8.999999760e-01, v15;
	v15 =	vld [tilespmem:s24+$0x170]  }
0xcf: {  	[tilespmem:s24+$0xF0] =	vst v8;
	v8 =	vadd.f32 v9, v1;
	v9 =	vmul.f32 $8.999999760e-01, v16;
	v16 =	vld [tilespmem:s24+$0x180]  }
0xd0: {  	[tilespmem:s24+$0x100] =	vst v10;
	v10 =	vadd.f32 v11, v2;
	v11 =	vmul.f32 $8.999999760e-01, v12;
	v12 =	vld [tilespmem:s24+$0x190]  }
0xd1: {  	[tilespmem:s24+$0x110] =	vst v8;
	v8 =	vadd.f32 v9, v3;
	v9 =	vmul.f32 $8.999999760e-01, v13;
	v13 =	vld [tilespmem:s24+$0x1A0]  }
0xd2: {  	[tilespmem:s24+$0x120] =	vst v10;
	v10 =	vadd.f32 v11, v4;
	v11 =	vmul.f32 $8.999999760e-01, v14;
	v14 =	vld [tilespmem:s24+$0x1B0]  }
0xd3: {  	[tilespmem:s24+$0x130] =	vst v8;
	v8 =	vadd.f32 v9, v5;
	v9 =	vmul.f32 $8.999999760e-01, v15;
	v15 =	vld [tilespmem:s24+$0x1C0]  }
0xd4: {  	[tilespmem:s24+$0x140] =	vst v10;
	v10 =	vadd.f32 v11, v6;
	v11 =	vmul.f32 $8.999999760e-01, v16;
	v16 =	vld [tilespmem:s24+$0x1D0]  }
0xd5: {  	[tilespmem:s24+$0x150] =	vst v8;
	v8 =	vadd.f32 v9, v0;
	v9 =	vmul.f32 $8.999999760e-01, v12;
	v12 =	vld [tilespmem:s24+$0x1E0]  }
0xd6: {  	[tilespmem:s24+$0x160] =	vst v10;
	v10 =	vadd.f32 v11, v7;
	v11 =	vmul.f32 $8.999999760e-01, v13;
	v13 =	vld [tilespmem:s24+$0x1F0]  }
0xd7: {  	[tilespmem:s24+$0x170] =	vst v8;
	v8 =	vadd.f32 v9, v1;
	v9 =	vmul.f32 $8.999999760e-01, v14;
	v14 =	vld [tilespmem:s24+$0x200]  }
0xd8: {  	[tilespmem:s24+$0x180] =	vst v10;
	v10 =	vadd.f32 v11, v2;
	v11 =	vmul.f32 $8.999999760e-01, v15;
	v15 =	vld [tilespmem:s24+$0x210]  }
0xd9: {  	[tilespmem:s24+$0x190] =	vst v8;
	v8 =	vadd.f32 v9, v3;
	v9 =	vmul.f32 $8.999999760e-01, v16;
	v16 =	vld [tilespmem:s24+$0x220]  }
0xda: {  	[tilespmem:s24+$0x1A0] =	vst v10;
	v10 =	vadd.f32 v11, v4;
	v11 =	vmul.f32 $8.999999760e-01, v12;
	v12 =	vld [tilespmem:s24+$0x230]  }
0xdb: {  	[tilespmem:s24+$0x1B0] =	vst v8;
	v8 =	vadd.f32 v9, v5;
	v9 =	vmul.f32 $8.999999760e-01, v13;
	v13 =	vld [tilespmem:s24+$0x240]  }
0xdc: {  	[tilespmem:s24+$0x1C0] =	vst v10;
	v10 =	vadd.f32 v11, v6;
	v11 =	vmul.f32 $8.999999760e-01, v14;
	v14 =	vld [tilespmem:s24+$0x250]  }
0xdd: {  	[tilespmem:s24+$0x1D0] =	vst v8;
	v8 =	vadd.f32 v9, v0;
	v9 =	vmul.f32 $8.999999760e-01, v15;
	v15 =	vld [tilespmem:s24+$0x260]  }
0xde: {  	[tilespmem:s24+$0x1E0] =	vst v10;
	v10 =	vadd.f32 v11, v7;
	v11 =	vmul.f32 $8.999999760e-01, v16;
	v16 =	vld [tilespmem:s24+$0x270]  }
0xdf: {  	[tilespmem:s24+$0x1F0] =	vst v8;
	v8 =	vadd.f32 v9, v1;
	v9 =	vmul.f32 $8.999999760e-01, v12;
	v12 =	vld [tilespmem:s24+$0x280]  }
0xe0: {  	[tilespmem:s24+$0x200] =	vst v10;
	v10 =	vadd.f32 v11, v2;
	v11 =	vmul.f32 $8.999999760e-01, v13;
	v13 =	vld [tilespmem:s24+$0x290]  }
0xe1: {  	[tilespmem:s24+$0x210] =	vst v8;
	v8 =	vadd.f32 v9, v3;
	v9 =	vmul.f32 $8.999999760e-01, v14;
	v14 =	vld [tilespmem:s24+$0x2A0]  }
0xe2: {  	[tilespmem:s24+$0x220] =	vst v10;
	v10 =	vadd.f32 v11, v4;
	v11 =	vmul.f32 $8.999999760e-01, v15;
	v15 =	vld [tilespmem:s24+$0x2B0]  }
0xe3: {  	[tilespmem:s24+$0x230] =	vst v8;
	v8 =	vadd.f32 v9, v5;
	v9 =	vmul.f32 $8.999999760e-01, v16;
	v16 =	vld [tilespmem:s24+$0x2C0]  }
0xe4: {  	[tilespmem:s24+$0x240] =	vst v10;
	v10 =	vadd.f32 v11, v6;
	v11 =	vmul.f32 $8.999999760e-01, v12;
	v12 =	vld [tilespmem:s24+$0x2D0]  }
0xe5: {  	[tilespmem:s24+$0x250] =	vst v8;
	v8 =	vadd.f32 v9, v0;
	v9 =	vmul.f32 $8.999999760e-01, v13;
	v13 =	vld [tilespmem:s24+$0x2E0]  }
0xe6: {  	[tilespmem:s24+$0x260] =	vst v10;
	v10 =	vadd.f32 v11, v7;
	v11 =	vmul.f32 $8.999999760e-01, v14;
	v14 =	vld [tilespmem:s24+$0x2F0]  }
0xe7: {  	[tilespmem:s24+$0x270] =	vst v8;
	v8 =	vadd.f32 v9, v1;
	v9 =	vmul.f32 $8.999999760e-01, v15;
	v15 =	vld [tilespmem:s24+$0x300]  }
0xe8: {  	[tilespmem:s24+$0x280] =	vst v10;
	v10 =	vadd.f32 v11, v2;
	v11 =	vmul.f32 $8.999999760e-01, v16;
	v16 =	vld [tilespmem:s24+$0x310]  }
0xe9: {  	[tilespmem:s24+$0x290] =	vst v8;
	v8 =	vadd.f32 v9, v3;
	v9 =	vmul.f32 $8.999999760e-01, v12;
	v12 =	vld [tilespmem:s24+$0x320]  }
0xea: {  	[tilespmem:s24+$0x2A0] =	vst v10;
	v10 =	vadd.f32 v11, v4;
	v11 =	vmul.f32 $8.999999760e-01, v13;
	v13 =	vld [tilespmem:s24+$0x330]  }
0xeb: {  	[tilespmem:s24+$0x2B0] =	vst v8;
	v8 =	vadd.f32 v9, v5;
	v9 =	vmul.f32 $8.999999760e-01, v14;
	v14 =	vld [tilespmem:s24+$0x340]  }
0xec: {  	[tilespmem:s24+$0x2C0] =	vst v10;
	v10 =	vadd.f32 v11, v6;
	v11 =	vmul.f32 $8.999999760e-01, v15;
	v15 =	vld [tilespmem:s24+$0x350]  }
0xed: {  	[tilespmem:s24+$0x2D0] =	vst v8;
	v8 =	vadd.f32 v9, v0;
	v9 =	vmul.f32 $8.999999760e-01, v16;
	v16 =	vld [tilespmem:s24+$0x360]  }
0xee: {  	[tilespmem:s24+$0x2E0] =	vst v10;
	v10 =	vadd.f32 v11, v7;
	v11 =	vmul.f32 $8.999999760e-01, v12;
	v12 =	vld [tilespmem:s24+$0x370]  }
0xef: {  	[tilespmem:s24+$0x2F0] =	vst v8;
	v8 =	vadd.f32 v9, v1;
	v9 =	vmul.f32 $8.999999760e-01, v13;
	v13 =	vld [tilespmem:s24+$0x380]  }
0xf0: {  	[tilespmem:s24+$0x300] =	vst v10;
	v10 =	vadd.f32 v11, v2;
	v11 =	vmul.f32 $8.999999760e-01, v14;
	v14 =	vld [tilespmem:s24+$0x390]  }
0xf1: {  	v17 =	vld [tilespmem:s24+$0x3A0];
	[tilespmem:s24+$0x310] =	vst v8;
	v9 =	vadd.f32 v9, v3;
	v15 =	vmul.f32 $8.999999760e-01, v15  }
0xf2: {  	v8 =	vld [tilespmem:s24+$0x3B0];
	[tilespmem:s24+$0x320] =	vst v10;
	v10 =	vadd.f32 v11, v4;
	v11 =	vmul.f32 $8.999999760e-01, v16  }
0xf3: {  	[tilespmem:s24+$0x330] =	vst v9;
	v15 =	vadd.f32 v15, v5;
	v12 =	vmul.f32 $8.999999760e-01, v12;
	v9 =	vld [tilespmem:s24+$0x3C0]  }
0xf4: {  	[tilespmem:s24+$0x340] =	vst v10;
	v16 =	vadd.f32 v11, v6;
	v18 =	vmul.f32 $8.999999760e-01, v13;
	v10 =	vld [tilespmem:s24+$0x3D0]  }
0xf5: {  	v11 =	vld [tilespmem:s24+$0x3E0];
	[tilespmem:s24+$0x350] =	vst v15;
	v13 =	vadd.f32 v12, v0;
	v14 =	vmul.f32 $8.999999760e-01, v14  }
0xf6: {  	s25 =	simm.s32 $0x80;
	s26 =	simm.s32 $0x4600;
	v12 =	vld [tilespmem:s24+$0x0];
	[tilespmem:s24+$0x360] =	vst v16;
	v15 =	vadd.f32 v18, v7;
	v16 =	vmul.f32 $8.999999760e-01, v17  }
.LBB2_4:
0xf7: {  	v17 =	vld [tilespmem:s26+$0x3F0];
	s25 =	sadd.s32 $0x8, s25;
	[tilespmem:s24+$0x370] =	vst v13;
	v13 =	vadd.f32 v14, v1;
	v8 =	vmul.f32 $8.999999760e-01, v8  }
0xf8: {  	v14 =	vld [tilespmem:s26+$0x10];
	p0 =	slt.u32 s25, $0xF8;
	[tilespmem:s24+$0x380] =	vst v15;
	v15 =	vadd.f32 v16, v2;
	v9 =	vmul.f32 $8.999999760e-01, v9  }
0xf9: {  	v16 =	vld [tilespmem:s26+$0x20];
	[tilespmem:s24+$0x390] =	vst v13;
	v8 =	vadd.f32 v8, v3;
	v10 =	vmul.f32 $8.999999760e-01, v10  }
0xfa: {  	v13 =	vld [tilespmem:s26+$0x30];
	[tilespmem:s24+$0x3A0] =	vst v15;
	v9 =	vadd.f32 v9, v4;
	v11 =	vmul.f32 $8.999999760e-01, v11  }
0xfb: {  	v15 =	vld [tilespmem:s26+$0x40];
	v12 =	vmul.f32 $8.999999760e-01, v12;
	[tilespmem:s24+$0x3B0] =	vst v8;
	v8 =	vadd.f32 v10, v5  }
0xfc: {  	v10 =	vld [tilespmem:s26+$0x50];
	v17 =	vmul.f32 $8.999999760e-01, v17;
	[tilespmem:s24+$0x3C0] =	vst v9;
	v9 =	vadd.f32 v11, v6  }
0xfd: {  	v11 =	vmul.f32 $8.999999760e-01, v14;
	v14 =	vld [tilespmem:s26+$0x60];
	v12 =	vadd.f32 v12, v7;
	[tilespmem:s24+$0x3D0] =	vst v8  }
0xfe: {  	v8 =	vmul.f32 $8.999999760e-01, v16;
	v16 =	vld [tilespmem:s26+$0x70];
	v17 =	vadd.f32 v17, v0;
	[tilespmem:s24+$0x3E0] =	vst v9  }
0xff: {  	v9 =	vadd.f32 v11, v1;
	v11 =	vmul.f32 $8.999999760e-01, v13;
	v13 =	vld [tilespmem:s26+$0x80];
	[tilespmem:s24+$0x0] =	vst v12;
	s24 =	smov.u32 s26  }
0x100: {  	v8 =	vadd.f32 v8, v2;
	v12 =	vmul.f32 $8.999999760e-01, v15;
	v15 =	vld [tilespmem:s26+$0x90];
	[tilespmem:s26+$0x3F0] =	vst v17  }
0x101: {  	[tilespmem:s26+$0x10] =	vst v9;
	v9 =	vadd.f32 v11, v3;
	v10 =	vmul.f32 $8.999999760e-01, v10;
	v11 =	vld [tilespmem:s26+$0xA0]  }
0x102: {  	[tilespmem:s26+$0x20] =	vst v8;
	v8 =	vadd.f32 v12, v4;
	v12 =	vmul.f32 $8.999999760e-01, v14;
	v14 =	vld [tilespmem:s26+$0xB0]  }
0x103: {  	[tilespmem:s26+$0x30] =	vst v9;
	v9 =	vadd.f32 v10, v5;
	v10 =	vmul.f32 $8.999999760e-01, v16;
	v16 =	vld [tilespmem:s26+$0xC0]  }
0x104: {  	[tilespmem:s26+$0x40] =	vst v8;
	v8 =	vadd.f32 v12, v6;
	v12 =	vmul.f32 $8.999999760e-01, v13;
	v13 =	vld [tilespmem:s26+$0xD0]  }
0x105: {  	[tilespmem:s26+$0x50] =	vst v9;
	v9 =	vadd.f32 v10, v0;
	v10 =	vmul.f32 $8.999999760e-01, v15;
	v15 =	vld [tilespmem:s26+$0xE0]  }
0x106: {  	[tilespmem:s26+$0x60] =	vst v8;
	v8 =	vadd.f32 v12, v7;
	v11 =	vmul.f32 $8.999999760e-01, v11;
	v12 =	vld [tilespmem:s26+$0xF0]  }
0x107: {  	[tilespmem:s26+$0x70] =	vst v9;
	v9 =	vadd.f32 v10, v1;
	v10 =	vmul.f32 $8.999999760e-01, v14;
	v14 =	vld [tilespmem:s26+$0x100]  }
0x108: {  	[tilespmem:s26+$0x80] =	vst v8;
	v8 =	vadd.f32 v11, v2;
	v11 =	vmul.f32 $8.999999760e-01, v16;
	v16 =	vld [tilespmem:s26+$0x110]  }
0x109: {  	[tilespmem:s26+$0x90] =	vst v9;
	v9 =	vadd.f32 v10, v3;
	v10 =	vmul.f32 $8.999999760e-01, v13;
	v13 =	vld [tilespmem:s26+$0x120]  }
0x10a: {  	[tilespmem:s26+$0xA0] =	vst v8;
	v8 =	vadd.f32 v11, v4;
	v11 =	vmul.f32 $8.999999760e-01, v15;
	v15 =	vld [tilespmem:s26+$0x130]  }
0x10b: {  	[tilespmem:s26+$0xB0] =	vst v9;
	v9 =	vadd.f32 v10, v5;
	v10 =	vmul.f32 $8.999999760e-01, v12;
	v12 =	vld [tilespmem:s26+$0x140]  }
0x10c: {  	[tilespmem:s26+$0xC0] =	vst v8;
	v8 =	vadd.f32 v11, v6;
	v11 =	vmul.f32 $8.999999760e-01, v14;
	v14 =	vld [tilespmem:s26+$0x150]  }
0x10d: {  	[tilespmem:s26+$0xD0] =	vst v9;
	v9 =	vadd.f32 v10, v0;
	v10 =	vmul.f32 $8.999999760e-01, v16;
	v16 =	vld [tilespmem:s26+$0x160]  }
0x10e: {  	[tilespmem:s26+$0xE0] =	vst v8;
	v8 =	vadd.f32 v11, v7;
	v11 =	vmul.f32 $8.999999760e-01, v13;
	v13 =	vld [tilespmem:s26+$0x170]  }
0x10f: {  	[tilespmem:s26+$0xF0] =	vst v9;
	v9 =	vadd.f32 v10, v1;
	v10 =	vmul.f32 $8.999999760e-01, v15;
	v15 =	vld [tilespmem:s26+$0x180]  }
0x110: {  	[tilespmem:s26+$0x100] =	vst v8;
	v8 =	vadd.f32 v11, v2;
	v11 =	vmul.f32 $8.999999760e-01, v12;
	v12 =	vld [tilespmem:s26+$0x190]  }
0x111: {  	[tilespmem:s26+$0x110] =	vst v9;
	v9 =	vadd.f32 v10, v3;
	v10 =	vmul.f32 $8.999999760e-01, v14;
	v14 =	vld [tilespmem:s26+$0x1A0]  }
0x112: {  	[tilespmem:s26+$0x120] =	vst v8;
	v8 =	vadd.f32 v11, v4;
	v11 =	vmul.f32 $8.999999760e-01, v16;
	v16 =	vld [tilespmem:s26+$0x1B0]  }
0x113: {  	[tilespmem:s26+$0x130] =	vst v9;
	v9 =	vadd.f32 v10, v5;
	v10 =	vmul.f32 $8.999999760e-01, v13;
	v13 =	vld [tilespmem:s26+$0x1C0]  }
0x114: {  	[tilespmem:s26+$0x140] =	vst v8;
	v8 =	vadd.f32 v11, v6;
	v11 =	vmul.f32 $8.999999760e-01, v15;
	v15 =	vld [tilespmem:s26+$0x1D0]  }
0x115: {  	[tilespmem:s26+$0x150] =	vst v9;
	v9 =	vadd.f32 v10, v0;
	v10 =	vmul.f32 $8.999999760e-01, v12;
	v12 =	vld [tilespmem:s26+$0x1E0]  }
0x116: {  	[tilespmem:s26+$0x160] =	vst v8;
	v8 =	vadd.f32 v11, v7;
	v11 =	vmul.f32 $8.999999760e-01, v14;
	v14 =	vld [tilespmem:s26+$0x1F0]  }
0x117: {  	[tilespmem:s26+$0x170] =	vst v9;
	v9 =	vadd.f32 v10, v1;
	v10 =	vmul.f32 $8.999999760e-01, v16;
	v16 =	vld [tilespmem:s26+$0x200]  }
0x118: {  	[tilespmem:s26+$0x180] =	vst v8;
	v8 =	vadd.f32 v11, v2;
	v11 =	vmul.f32 $8.999999760e-01, v13;
	v13 =	vld [tilespmem:s26+$0x210]  }
0x119: {  	[tilespmem:s26+$0x190] =	vst v9;
	v9 =	vadd.f32 v10, v3;
	v10 =	vmul.f32 $8.999999760e-01, v15;
	v15 =	vld [tilespmem:s26+$0x220]  }
0x11a: {  	[tilespmem:s26+$0x1A0] =	vst v8;
	v8 =	vadd.f32 v11, v4;
	v11 =	vmul.f32 $8.999999760e-01, v12;
	v12 =	vld [tilespmem:s26+$0x230]  }
0x11b: {  	[tilespmem:s26+$0x1B0] =	vst v9;
	v9 =	vadd.f32 v10, v5;
	v10 =	vmul.f32 $8.999999760e-01, v14;
	v14 =	vld [tilespmem:s26+$0x240]  }
0x11c: {  	[tilespmem:s26+$0x1C0] =	vst v8;
	v8 =	vadd.f32 v11, v6;
	v11 =	vmul.f32 $8.999999760e-01, v16;
	v16 =	vld [tilespmem:s26+$0x250]  }
0x11d: {  	[tilespmem:s26+$0x1D0] =	vst v9;
	v9 =	vadd.f32 v10, v0;
	v10 =	vmul.f32 $8.999999760e-01, v13;
	v13 =	vld [tilespmem:s26+$0x260]  }
0x11e: {  	[tilespmem:s26+$0x1E0] =	vst v8;
	v8 =	vadd.f32 v11, v7;
	v11 =	vmul.f32 $8.999999760e-01, v15;
	v15 =	vld [tilespmem:s26+$0x270]  }
0x11f: {  	[tilespmem:s26+$0x1F0] =	vst v9;
	v9 =	vadd.f32 v10, v1;
	v10 =	vmul.f32 $8.999999760e-01, v12;
	v12 =	vld [tilespmem:s26+$0x280]  }
0x120: {  	[tilespmem:s26+$0x200] =	vst v8;
	v8 =	vadd.f32 v11, v2;
	v11 =	vmul.f32 $8.999999760e-01, v14;
	v14 =	vld [tilespmem:s26+$0x290]  }
0x121: {  	[tilespmem:s26+$0x210] =	vst v9;
	v9 =	vadd.f32 v10, v3;
	v10 =	vmul.f32 $8.999999760e-01, v16;
	v16 =	vld [tilespmem:s26+$0x2A0]  }
0x122: {  	[tilespmem:s26+$0x220] =	vst v8;
	v8 =	vadd.f32 v11, v4;
	v11 =	vmul.f32 $8.999999760e-01, v13;
	v13 =	vld [tilespmem:s26+$0x2B0]  }
0x123: {  	[tilespmem:s26+$0x230] =	vst v9;
	v9 =	vadd.f32 v10, v5;
	v10 =	vmul.f32 $8.999999760e-01, v15;
	v15 =	vld [tilespmem:s26+$0x2C0]  }
0x124: {  	[tilespmem:s26+$0x240] =	vst v8;
	v8 =	vadd.f32 v11, v6;
	v11 =	vmul.f32 $8.999999760e-01, v12;
	v12 =	vld [tilespmem:s26+$0x2D0]  }
0x125: {  	[tilespmem:s26+$0x250] =	vst v9;
	v9 =	vadd.f32 v10, v0;
	v10 =	vmul.f32 $8.999999760e-01, v14;
	v14 =	vld [tilespmem:s26+$0x2E0]  }
0x126: {  	[tilespmem:s26+$0x260] =	vst v8;
	v8 =	vadd.f32 v11, v7;
	v11 =	vmul.f32 $8.999999760e-01, v16;
	v16 =	vld [tilespmem:s26+$0x2F0]  }
0x127: {  	[tilespmem:s26+$0x270] =	vst v9;
	v9 =	vadd.f32 v10, v1;
	v10 =	vmul.f32 $8.999999760e-01, v13;
	v13 =	vld [tilespmem:s26+$0x300]  }
0x128: {  	[tilespmem:s26+$0x280] =	vst v8;
	v8 =	vadd.f32 v11, v2;
	v11 =	vmul.f32 $8.999999760e-01, v15;
	v15 =	vld [tilespmem:s26+$0x310]  }
0x129: {  	[tilespmem:s26+$0x290] =	vst v9;
	v9 =	vadd.f32 v10, v3;
	v10 =	vmul.f32 $8.999999760e-01, v12;
	v12 =	vld [tilespmem:s26+$0x320]  }
0x12a: {  	[tilespmem:s26+$0x2A0] =	vst v8;
	v8 =	vadd.f32 v11, v4;
	v11 =	vmul.f32 $8.999999760e-01, v14;
	v14 =	vld [tilespmem:s26+$0x330]  }
0x12b: {  	[tilespmem:s26+$0x2B0] =	vst v9;
	v9 =	vadd.f32 v10, v5;
	v10 =	vmul.f32 $8.999999760e-01, v16;
	v16 =	vld [tilespmem:s26+$0x340]  }
0x12c: {  	[tilespmem:s26+$0x2C0] =	vst v8;
	v8 =	vadd.f32 v11, v6;
	v11 =	vmul.f32 $8.999999760e-01, v13;
	v13 =	vld [tilespmem:s26+$0x350]  }
0x12d: {  	[tilespmem:s26+$0x2D0] =	vst v9;
	v9 =	vadd.f32 v10, v0;
	v10 =	vmul.f32 $8.999999760e-01, v15;
	v15 =	vld [tilespmem:s26+$0x360]  }
0x12e: {  	[tilespmem:s26+$0x2E0] =	vst v8;
	v8 =	vadd.f32 v11, v7;
	v11 =	vmul.f32 $8.999999760e-01, v12;
	v12 =	vld [tilespmem:s26+$0x370]  }
0x12f: {  	[tilespmem:s26+$0x2F0] =	vst v9;
	v9 =	vadd.f32 v10, v1;
	v10 =	vmul.f32 $8.999999760e-01, v14;
	v14 =	vld [tilespmem:s26+$0x380]  }
0x130: {  	[tilespmem:s26+$0x300] =	vst v8;
	v8 =	vadd.f32 v11, v2;
	v11 =	vmul.f32 $8.999999760e-01, v16;
	v16 =	vld [tilespmem:s26+$0x390]  }
0x131: {  	[tilespmem:s26+$0x310] =	vst v9;
	v9 =	vadd.f32 v10, v3;
	v10 =	vmul.f32 $8.999999760e-01, v13;
	v17 =	vld [tilespmem:s26+$0x3A0]  }
.Ltmp1:
0x132: {  	[tilespmem:s26+$0x320] =	vst v8;
	v11 =	vadd.f32 v11, v4;
	v13 =	vmul.f32 $8.999999760e-01, v15;
	v8 =	vld [tilespmem:s26+$0x3B0];
	(pc) =	sbr.rel @p0 .LBB2_4-.Ltmp1, $4  }
0x133: {  	[tilespmem:s26+$0x330] =	vst v9;
	v15 =	vadd.f32 v10, v5;
	v12 =	vmul.f32 $8.999999760e-01, v12;
	v9 =	vld [tilespmem:s26+$0x3C0]  }
0x134: {  	[tilespmem:s26+$0x340] =	vst v11;
	v18 =	vadd.f32 v13, v6;
	v19 =	vmul.f32 $8.999999760e-01, v14;
	v10 =	vld [tilespmem:s26+$0x3D0]  }
0x135: {  	[tilespmem:s26+$0x350] =	vst v15;
	v13 =	vadd.f32 v12, v0;
	v14 =	vmul.f32 $8.999999760e-01, v16;
	v11 =	vld [tilespmem:s26+$0x3E0]  }
0x136: {  	s26 =	sadd.s32 $0x400, s26;
	v12 =	vld [tilespmem:s24+$0x0];
	[tilespmem:s24+$0x360] =	vst v18;
	v15 =	vadd.f32 v19, v7;
	v16 =	vmul.f32 $8.999999760e-01, v17  }
0x137: {  	[tilespmem:s24+$0x370] =	vst v13;
	v13 =	vadd.f32 v14, v1;
	v8 =	vmul.f32 $8.999999760e-01, v8  }
0x138: {  	[tilespmem:s24+$0x380] =	vst v15;
	v14 =	vadd.f32 v16, v2;
	v9 =	vmul.f32 $8.999999760e-01, v9  }
0x139: {  	[tilespmem:s24+$0x390] =	vst v13;
	v8 =	vadd.f32 v8, v3;
	v10 =	vmul.f32 $8.999999760e-01, v10  }
0x13a: {  	[tilespmem:s24+$0x3A0] =	vst v14;
	v9 =	vadd.f32 v9, v4;
	v11 =	vmul.f32 $8.999999760e-01, v11  }
0x13b: {  	v12 =	vmul.f32 $8.999999760e-01, v12;
	[tilespmem:s24+$0x3B0] =	vst v8;
	v8 =	vadd.f32 v10, v5  }
0x13c: {  	[tilespmem:s24+$0x3C0] =	vst v9;
	v9 =	vadd.f32 v11, v6  }
0x13d: {  	v10 =	vadd.f32 v12, v7;
	[tilespmem:s24+$0x3D0] =	vst v8  }
0x13e: {  	[tilespmem:s24+$0x3E0] =	vst v9  }
0x13f: {  	[tilespmem:s24+$0x0] =	vst v10  }
0x140: {  	[hbm4b:s3+s10] =	stream.indirect.scatter [tilespmem:s12], [sflag:$0x7], $0x80, s10, s10, $0xb8;
	[tilespmem:$0x10280] =	vst v63  }
0x141: {  	_ =	swait.ge [sflag:s20], $0x4000  }
0x142: {  	[sflag:s20] =	ssyncset.done $0x0  }
0x143: {  	s24 =	simm.s32 $0x8200;
	[sflag:s20] =	ssyncadd.s32 $0xFFFFC000  }
0x144: {  	v8 =	vld [tilespmem:s24+$0x3F0]  }
0x145: {  	v9 =	vld [tilespmem:s24+$0x10]  }
0x146: {  	v10 =	vld [tilespmem:s24+$0x20]  }
0x147: {  	v11 =	vld [tilespmem:s24+$0x30]  }
0x148: {  	v12 =	vld [tilespmem:s24+$0x40]  }
0x149: {  	v13 =	vld [tilespmem:s24+$0x50];
	v8 =	vmul.f32 $8.999999760e-01, v8  }
0x14a: {  	v14 =	vld [tilespmem:s24+$0x60];
	v9 =	vmul.f32 $8.999999760e-01, v9  }
0x14b: {  	v15 =	vld [tilespmem:s24+$0x70];
	v10 =	vmul.f32 $8.999999760e-01, v10;
	v8 =	vadd.f32 v8, v0  }
0x14c: {  	v16 =	vld [tilespmem:s24+$0x80];
	v11 =	vmul.f32 $8.999999760e-01, v11;
	v9 =	vadd.f32 v9, v1  }
0x14d: {  	v17 =	vld [tilespmem:s24+$0x90];
	v12 =	vmul.f32 $8.999999760e-01, v12;
	v10 =	vadd.f32 v10, v2;
	[tilespmem:s24+$0x3F0] =	vst v8  }
0x14e: {  	[tilespmem:s24+$0x10] =	vst v9;
	v8 =	vadd.f32 v11, v3;
	v9 =	vmul.f32 $8.999999760e-01, v13;
	v11 =	vld [tilespmem:s24+$0xA0]  }
0x14f: {  	[tilespmem:s24+$0x20] =	vst v10;
	v10 =	vadd.f32 v12, v4;
	v12 =	vmul.f32 $8.999999760e-01, v14;
	v13 =	vld [tilespmem:s24+$0xB0]  }
0x150: {  	v14 =	vld [tilespmem:s24+$0xC0];
	[tilespmem:s24+$0x30] =	vst v8;
	v8 =	vadd.f32 v9, v5;
	v9 =	vmul.f32 $8.999999760e-01, v15  }
0x151: {  	[tilespmem:s24+$0x40] =	vst v10;
	v10 =	vadd.f32 v12, v6;
	v12 =	vmul.f32 $8.999999760e-01, v16;
	v15 =	vld [tilespmem:s24+$0xD0]  }
0x152: {  	v16 =	vld [tilespmem:s24+$0xE0];
	[tilespmem:s24+$0x50] =	vst v8;
	v8 =	vadd.f32 v9, v0;
	v9 =	vmul.f32 $8.999999760e-01, v17  }
0x153: {  	[tilespmem:s24+$0x60] =	vst v10;
	v10 =	vadd.f32 v12, v7;
	v12 =	vld [tilespmem:s24+$0xF0];
	v11 =	vmul.f32 $8.999999760e-01, v11  }
0x154: {  	[tilespmem:s24+$0x70] =	vst v8;
	v8 =	vadd.f32 v9, v1;
	v9 =	vmul.f32 $8.999999760e-01, v13;
	v13 =	vld [tilespmem:s24+$0x100]  }
0x155: {  	[tilespmem:s24+$0x80] =	vst v10;
	v10 =	vadd.f32 v11, v2;
	v11 =	vmul.f32 $8.999999760e-01, v14;
	v14 =	vld [tilespmem:s24+$0x110]  }
0x156: {  	[tilespmem:s24+$0x90] =	vst v8;
	v8 =	vadd.f32 v9, v3;
	v9 =	vmul.f32 $8.999999760e-01, v15;
	v15 =	vld [tilespmem:s24+$0x120]  }
0x157: {  	[tilespmem:s24+$0xA0] =	vst v10;
	v10 =	vadd.f32 v11, v4;
	v11 =	vmul.f32 $8.999999760e-01, v16;
	v16 =	vld [tilespmem:s24+$0x130]  }
0x158: {  	[tilespmem:s24+$0xB0] =	vst v8;
	v8 =	vadd.f32 v9, v5;
	v9 =	vmul.f32 $8.999999760e-01, v12;
	v12 =	vld [tilespmem:s24+$0x140]  }
0x159: {  	[tilespmem:s24+$0xC0] =	vst v10;
	v10 =	vadd.f32 v11, v6;
	v11 =	vmul.f32 $8.999999760e-01, v13;
	v13 =	vld [tilespmem:s24+$0x150]  }
0x15a: {  	[tilespmem:s24+$0xD0] =	vst v8;
	v8 =	vadd.f32 v9, v0;
	v9 =	vmul.f32 $8.999999760e-01, v14;
	v14 =	vld [tilespmem:s24+$0x160]  }
0x15b: {  	[tilespmem:s24+$0xE0] =	vst v10;
	v10 =	vadd.f32 v11, v7;
	v11 =	vmul.f32 $8.999999760e-01, v15;
	v15 =	vld [tilespmem:s24+$0x170]  }
0x15c: {  	[tilespmem:s24+$0xF0] =	vst v8;
	v8 =	vadd.f32 v9, v1;
	v9 =	vmul.f32 $8.999999760e-01, v16;
	v16 =	vld [tilespmem:s24+$0x180]  }
0x15d: {  	[tilespmem:s24+$0x100] =	vst v10;
	v10 =	vadd.f32 v11, v2;
	v11 =	vmul.f32 $8.999999760e-01, v12;
	v12 =	vld [tilespmem:s24+$0x190]  }
0x15e: {  	[tilespmem:s24+$0x110] =	vst v8;
	v8 =	vadd.f32 v9, v3;
	v9 =	vmul.f32 $8.999999760e-01, v13;
	v13 =	vld [tilespmem:s24+$0x1A0]  }
0x15f: {  	[tilespmem:s24+$0x120] =	vst v10;
	v10 =	vadd.f32 v11, v4;
	v11 =	vmul.f32 $8.999999760e-01, v14;
	v14 =	vld [tilespmem:s24+$0x1B0]  }
0x160: {  	[tilespmem:s24+$0x130] =	vst v8;
	v8 =	vadd.f32 v9, v5;
	v9 =	vmul.f32 $8.999999760e-01, v15;
	v15 =	vld [tilespmem:s24+$0x1C0]  }
0x161: {  	[tilespmem:s24+$0x140] =	vst v10;
	v10 =	vadd.f32 v11, v6;
	v11 =	vmul.f32 $8.999999760e-01, v16;
	v16 =	vld [tilespmem:s24+$0x1D0]  }
0x162: {  	[tilespmem:s24+$0x150] =	vst v8;
	v8 =	vadd.f32 v9, v0;
	v9 =	vmul.f32 $8.999999760e-01, v12;
	v12 =	vld [tilespmem:s24+$0x1E0]  }
0x163: {  	[tilespmem:s24+$0x160] =	vst v10;
	v10 =	vadd.f32 v11, v7;
	v11 =	vmul.f32 $8.999999760e-01, v13;
	v13 =	vld [tilespmem:s24+$0x1F0]  }
0x164: {  	[tilespmem:s24+$0x170] =	vst v8;
	v8 =	vadd.f32 v9, v1;
	v9 =	vmul.f32 $8.999999760e-01, v14;
	v14 =	vld [tilespmem:s24+$0x200]  }
0x165: {  	[tilespmem:s24+$0x180] =	vst v10;
	v10 =	vadd.f32 v11, v2;
	v11 =	vmul.f32 $8.999999760e-01, v15;
	v15 =	vld [tilespmem:s24+$0x210]  }
0x166: {  	[tilespmem:s24+$0x190] =	vst v8;
	v8 =	vadd.f32 v9, v3;
	v9 =	vmul.f32 $8.999999760e-01, v16;
	v16 =	vld [tilespmem:s24+$0x220]  }
0x167: {  	[tilespmem:s24+$0x1A0] =	vst v10;
	v10 =	vadd.f32 v11, v4;
	v11 =	vmul.f32 $8.999999760e-01, v12;
	v12 =	vld [tilespmem:s24+$0x230]  }
0x168: {  	[tilespmem:s24+$0x1B0] =	vst v8;
	v8 =	vadd.f32 v9, v5;
	v9 =	vmul.f32 $8.999999760e-01, v13;
	v13 =	vld [tilespmem:s24+$0x240]  }
0x169: {  	[tilespmem:s24+$0x1C0] =	vst v10;
	v10 =	vadd.f32 v11, v6;
	v11 =	vmul.f32 $8.999999760e-01, v14;
	v14 =	vld [tilespmem:s24+$0x250]  }
0x16a: {  	[tilespmem:s24+$0x1D0] =	vst v8;
	v8 =	vadd.f32 v9, v0;
	v9 =	vmul.f32 $8.999999760e-01, v15;
	v15 =	vld [tilespmem:s24+$0x260]  }
0x16b: {  	[tilespmem:s24+$0x1E0] =	vst v10;
	v10 =	vadd.f32 v11, v7;
	v11 =	vmul.f32 $8.999999760e-01, v16;
	v16 =	vld [tilespmem:s24+$0x270]  }
0x16c: {  	[tilespmem:s24+$0x1F0] =	vst v8;
	v8 =	vadd.f32 v9, v1;
	v9 =	vmul.f32 $8.999999760e-01, v12;
	v12 =	vld [tilespmem:s24+$0x280]  }
0x16d: {  	[tilespmem:s24+$0x200] =	vst v10;
	v10 =	vadd.f32 v11, v2;
	v11 =	vmul.f32 $8.999999760e-01, v13;
	v13 =	vld [tilespmem:s24+$0x290]  }
0x16e: {  	[tilespmem:s24+$0x210] =	vst v8;
	v8 =	vadd.f32 v9, v3;
	v9 =	vmul.f32 $8.999999760e-01, v14;
	v14 =	vld [tilespmem:s24+$0x2A0]  }
0x16f: {  	[tilespmem:s24+$0x220] =	vst v10;
	v10 =	vadd.f32 v11, v4;
	v11 =	vmul.f32 $8.999999760e-01, v15;
	v15 =	vld [tilespmem:s24+$0x2B0]  }
0x170: {  	[tilespmem:s24+$0x230] =	vst v8;
	v8 =	vadd.f32 v9, v5;
	v9 =	vmul.f32 $8.999999760e-01, v16;
	v16 =	vld [tilespmem:s24+$0x2C0]  }
0x171: {  	[tilespmem:s24+$0x240] =	vst v10;
	v10 =	vadd.f32 v11, v6;
	v11 =	vmul.f32 $8.999999760e-01, v12;
	v12 =	vld [tilespmem:s24+$0x2D0]  }
0x172: {  	[tilespmem:s24+$0x250] =	vst v8;
	v8 =	vadd.f32 v9, v0;
	v9 =	vmul.f32 $8.999999760e-01, v13;
	v13 =	vld [tilespmem:s24+$0x2E0]  }
0x173: {  	[tilespmem:s24+$0x260] =	vst v10;
	v10 =	vadd.f32 v11, v7;
	v11 =	vmul.f32 $8.999999760e-01, v14;
	v14 =	vld [tilespmem:s24+$0x2F0]  }
0x174: {  	[tilespmem:s24+$0x270] =	vst v8;
	v8 =	vadd.f32 v9, v1;
	v9 =	vmul.f32 $8.999999760e-01, v15;
	v15 =	vld [tilespmem:s24+$0x300]  }
0x175: {  	[tilespmem:s24+$0x280] =	vst v10;
	v10 =	vadd.f32 v11, v2;
	v11 =	vmul.f32 $8.999999760e-01, v16;
	v16 =	vld [tilespmem:s24+$0x310]  }
0x176: {  	[tilespmem:s24+$0x290] =	vst v8;
	v8 =	vadd.f32 v9, v3;
	v9 =	vmul.f32 $8.999999760e-01, v12;
	v12 =	vld [tilespmem:s24+$0x320]  }
0x177: {  	[tilespmem:s24+$0x2A0] =	vst v10;
	v10 =	vadd.f32 v11, v4;
	v11 =	vmul.f32 $8.999999760e-01, v13;
	v13 =	vld [tilespmem:s24+$0x330]  }
0x178: {  	[tilespmem:s24+$0x2B0] =	vst v8;
	v8 =	vadd.f32 v9, v5;
	v9 =	vmul.f32 $8.999999760e-01, v14;
	v14 =	vld [tilespmem:s24+$0x340]  }
0x179: {  	[tilespmem:s24+$0x2C0] =	vst v10;
	v10 =	vadd.f32 v11, v6;
	v11 =	vmul.f32 $8.999999760e-01, v15;
	v15 =	vld [tilespmem:s24+$0x350]  }
0x17a: {  	[tilespmem:s24+$0x2D0] =	vst v8;
	v8 =	vadd.f32 v9, v0;
	v9 =	vmul.f32 $8.999999760e-01, v16;
	v16 =	vld [tilespmem:s24+$0x360]  }
0x17b: {  	[tilespmem:s24+$0x2E0] =	vst v10;
	v10 =	vadd.f32 v11, v7;
	v11 =	vmul.f32 $8.999999760e-01, v12;
	v12 =	vld [tilespmem:s24+$0x370]  }
0x17c: {  	[tilespmem:s24+$0x2F0] =	vst v8;
	v8 =	vadd.f32 v9, v1;
	v9 =	vmul.f32 $8.999999760e-01, v13;
	v13 =	vld [tilespmem:s24+$0x380]  }
0x17d: {  	[tilespmem:s24+$0x300] =	vst v10;
	v10 =	vadd.f32 v11, v2;
	v11 =	vmul.f32 $8.999999760e-01, v14;
	v14 =	vld [tilespmem:s24+$0x390]  }
0x17e: {  	v17 =	vld [tilespmem:s24+$0x3A0];
	[tilespmem:s24+$0x310] =	vst v8;
	v9 =	vadd.f32 v9, v3;
	v15 =	vmul.f32 $8.999999760e-01, v15  }
0x17f: {  	v8 =	vld [tilespmem:s24+$0x3B0];
	[tilespmem:s24+$0x320] =	vst v10;
	v10 =	vadd.f32 v11, v4;
	v11 =	vmul.f32 $8.999999760e-01, v16  }
0x180: {  	[tilespmem:s24+$0x330] =	vst v9;
	v15 =	vadd.f32 v15, v5;
	v12 =	vmul.f32 $8.999999760e-01, v12;
	v9 =	vld [tilespmem:s24+$0x3C0]  }
0x181: {  	[tilespmem:s24+$0x340] =	vst v10;
	v16 =	vadd.f32 v11, v6;
	v18 =	vmul.f32 $8.999999760e-01, v13;
	v10 =	vld [tilespmem:s24+$0x3D0]  }
0x182: {  	v11 =	vld [tilespmem:s24+$0x3E0];
	[tilespmem:s24+$0x350] =	vst v15;
	v13 =	vadd.f32 v12, v0;
	v14 =	vmul.f32 $8.999999760e-01, v14  }
0x183: {  	s25 =	simm.s32 $0x100;
	s26 =	simm.s32 $0x8600;
	v12 =	vld [tilespmem:s24+$0x0];
	[tilespmem:s24+$0x360] =	vst v16;
	v15 =	vadd.f32 v18, v7;
	v16 =	vmul.f32 $8.999999760e-01, v17  }
.LBB2_6:
0x184: {  	v17 =	vld [tilespmem:s26+$0x3F0];
	s25 =	sadd.s32 $0x8, s25;
	[tilespmem:s24+$0x370] =	vst v13;
	v13 =	vadd.f32 v14, v1;
	v8 =	vmul.f32 $8.999999760e-01, v8  }
0x185: {  	v14 =	vld [tilespmem:s26+$0x10];
	p0 =	slt.u32 s25, $0x178;
	[tilespmem:s24+$0x380] =	vst v15;
	v15 =	vadd.f32 v16, v2;
	v9 =	vmul.f32 $8.999999760e-01, v9  }
0x186: {  	v16 =	vld [tilespmem:s26+$0x20];
	[tilespmem:s24+$0x390] =	vst v13;
	v8 =	vadd.f32 v8, v3;
	v10 =	vmul.f32 $8.999999760e-01, v10  }
0x187: {  	v13 =	vld [tilespmem:s26+$0x30];
	[tilespmem:s24+$0x3A0] =	vst v15;
	v9 =	vadd.f32 v9, v4;
	v11 =	vmul.f32 $8.999999760e-01, v11  }
0x188: {  	v15 =	vld [tilespmem:s26+$0x40];
	v12 =	vmul.f32 $8.999999760e-01, v12;
	[tilespmem:s24+$0x3B0] =	vst v8;
	v8 =	vadd.f32 v10, v5  }
0x189: {  	v10 =	vld [tilespmem:s26+$0x50];
	v17 =	vmul.f32 $8.999999760e-01, v17;
	[tilespmem:s24+$0x3C0] =	vst v9;
	v9 =	vadd.f32 v11, v6  }
0x18a: {  	v11 =	vmul.f32 $8.999999760e-01, v14;
	v14 =	vld [tilespmem:s26+$0x60];
	v12 =	vadd.f32 v12, v7;
	[tilespmem:s24+$0x3D0] =	vst v8  }
0x18b: {  	v8 =	vmul.f32 $8.999999760e-01, v16;
	v16 =	vld [tilespmem:s26+$0x70];
	v17 =	vadd.f32 v17, v0;
	[tilespmem:s24+$0x3E0] =	vst v9  }
0x18c: {  	v9 =	vadd.f32 v11, v1;
	v11 =	vmul.f32 $8.999999760e-01, v13;
	v13 =	vld [tilespmem:s26+$0x80];
	[tilespmem:s24+$0x0] =	vst v12;
	s24 =	smov.u32 s26  }
0x18d: {  	v8 =	vadd.f32 v8, v2;
	v12 =	vmul.f32 $8.999999760e-01, v15;
	v15 =	vld [tilespmem:s26+$0x90];
	[tilespmem:s26+$0x3F0] =	vst v17  }
0x18e: {  	[tilespmem:s26+$0x10] =	vst v9;
	v9 =	vadd.f32 v11, v3;
	v10 =	vmul.f32 $8.999999760e-01, v10;
	v11 =	vld [tilespmem:s26+$0xA0]  }
0x18f: {  	[tilespmem:s26+$0x20] =	vst v8;
	v8 =	vadd.f32 v12, v4;
	v12 =	vmul.f32 $8.999999760e-01, v14;
	v14 =	vld [tilespmem:s26+$0xB0]  }
0x190: {  	[tilespmem:s26+$0x30] =	vst v9;
	v9 =	vadd.f32 v10, v5;
	v10 =	vmul.f32 $8.999999760e-01, v16;
	v16 =	vld [tilespmem:s26+$0xC0]  }
0x191: {  	[tilespmem:s26+$0x40] =	vst v8;
	v8 =	vadd.f32 v12, v6;
	v12 =	vmul.f32 $8.999999760e-01, v13;
	v13 =	vld [tilespmem:s26+$0xD0]  }
0x192: {  	[tilespmem:s26+$0x50] =	vst v9;
	v9 =	vadd.f32 v10, v0;
	v10 =	vmul.f32 $8.999999760e-01, v15;
	v15 =	vld [tilespmem:s26+$0xE0]  }
0x193: {  	[tilespmem:s26+$0x60] =	vst v8;
	v8 =	vadd.f32 v12, v7;
	v11 =	vmul.f32 $8.999999760e-01, v11;
	v12 =	vld [tilespmem:s26+$0xF0]  }
0x194: {  	[tilespmem:s26+$0x70] =	vst v9;
	v9 =	vadd.f32 v10, v1;
	v10 =	vmul.f32 $8.999999760e-01, v14;
	v14 =	vld [tilespmem:s26+$0x100]  }
0x195: {  	[tilespmem:s26+$0x80] =	vst v8;
	v8 =	vadd.f32 v11, v2;
	v11 =	vmul.f32 $8.999999760e-01, v16;
	v16 =	vld [tilespmem:s26+$0x110]  }
0x196: {  	[tilespmem:s26+$0x90] =	vst v9;
	v9 =	vadd.f32 v10, v3;
	v10 =	vmul.f32 $8.999999760e-01, v13;
	v13 =	vld [tilespmem:s26+$0x120]  }
0x197: {  	[tilespmem:s26+$0xA0] =	vst v8;
	v8 =	vadd.f32 v11, v4;
	v11 =	vmul.f32 $8.999999760e-01, v15;
	v15 =	vld [tilespmem:s26+$0x130]  }
0x198: {  	[tilespmem:s26+$0xB0] =	vst v9;
	v9 =	vadd.f32 v10, v5;
	v10 =	vmul.f32 $8.999999760e-01, v12;
	v12 =	vld [tilespmem:s26+$0x140]  }
0x199: {  	[tilespmem:s26+$0xC0] =	vst v8;
	v8 =	vadd.f32 v11, v6;
	v11 =	vmul.f32 $8.999999760e-01, v14;
	v14 =	vld [tilespmem:s26+$0x150]  }
0x19a: {  	[tilespmem:s26+$0xD0] =	vst v9;
	v9 =	vadd.f32 v10, v0;
	v10 =	vmul.f32 $8.999999760e-01, v16;
	v16 =	vld [tilespmem:s26+$0x160]  }
0x19b: {  	[tilespmem:s26+$0xE0] =	vst v8;
	v8 =	vadd.f32 v11, v7;
	v11 =	vmul.f32 $8.999999760e-01, v13;
	v13 =	vld [tilespmem:s26+$0x170]  }
0x19c: {  	[tilespmem:s26+$0xF0] =	vst v9;
	v9 =	vadd.f32 v10, v1;
	v10 =	vmul.f32 $8.999999760e-01, v15;
	v15 =	vld [tilespmem:s26+$0x180]  }
0x19d: {  	[tilespmem:s26+$0x100] =	vst v8;
	v8 =	vadd.f32 v11, v2;
	v11 =	vmul.f32 $8.999999760e-01, v12;
	v12 =	vld [tilespmem:s26+$0x190]  }
0x19e: {  	[tilespmem:s26+$0x110] =	vst v9;
	v9 =	vadd.f32 v10, v3;
	v10 =	vmul.f32 $8.999999760e-01, v14;
	v14 =	vld [tilespmem:s26+$0x1A0]  }
0x19f: {  	[tilespmem:s26+$0x120] =	vst v8;
	v8 =	vadd.f32 v11, v4;
	v11 =	vmul.f32 $8.999999760e-01, v16;
	v16 =	vld [tilespmem:s26+$0x1B0]  }
0x1a0: {  	[tilespmem:s26+$0x130] =	vst v9;
	v9 =	vadd.f32 v10, v5;
	v10 =	vmul.f32 $8.999999760e-01, v13;
	v13 =	vld [tilespmem:s26+$0x1C0]  }
0x1a1: {  	[tilespmem:s26+$0x140] =	vst v8;
	v8 =	vadd.f32 v11, v6;
	v11 =	vmul.f32 $8.999999760e-01, v15;
	v15 =	vld [tilespmem:s26+$0x1D0]  }
0x1a2: {  	[tilespmem:s26+$0x150] =	vst v9;
	v9 =	vadd.f32 v10, v0;
	v10 =	vmul.f32 $8.999999760e-01, v12;
	v12 =	vld [tilespmem:s26+$0x1E0]  }
0x1a3: {  	[tilespmem:s26+$0x160] =	vst v8;
	v8 =	vadd.f32 v11, v7;
	v11 =	vmul.f32 $8.999999760e-01, v14;
	v14 =	vld [tilespmem:s26+$0x1F0]  }
0x1a4: {  	[tilespmem:s26+$0x170] =	vst v9;
	v9 =	vadd.f32 v10, v1;
	v10 =	vmul.f32 $8.999999760e-01, v16;
	v16 =	vld [tilespmem:s26+$0x200]  }
0x1a5: {  	[tilespmem:s26+$0x180] =	vst v8;
	v8 =	vadd.f32 v11, v2;
	v11 =	vmul.f32 $8.999999760e-01, v13;
	v13 =	vld [tilespmem:s26+$0x210]  }
0x1a6: {  	[tilespmem:s26+$0x190] =	vst v9;
	v9 =	vadd.f32 v10, v3;
	v10 =	vmul.f32 $8.999999760e-01, v15;
	v15 =	vld [tilespmem:s26+$0x220]  }
0x1a7: {  	[tilespmem:s26+$0x1A0] =	vst v8;
	v8 =	vadd.f32 v11, v4;
	v11 =	vmul.f32 $8.999999760e-01, v12;
	v12 =	vld [tilespmem:s26+$0x230]  }
0x1a8: {  	[tilespmem:s26+$0x1B0] =	vst v9;
	v9 =	vadd.f32 v10, v5;
	v10 =	vmul.f32 $8.999999760e-01, v14;
	v14 =	vld [tilespmem:s26+$0x240]  }
0x1a9: {  	[tilespmem:s26+$0x1C0] =	vst v8;
	v8 =	vadd.f32 v11, v6;
	v11 =	vmul.f32 $8.999999760e-01, v16;
	v16 =	vld [tilespmem:s26+$0x250]  }
0x1aa: {  	[tilespmem:s26+$0x1D0] =	vst v9;
	v9 =	vadd.f32 v10, v0;
	v10 =	vmul.f32 $8.999999760e-01, v13;
	v13 =	vld [tilespmem:s26+$0x260]  }
0x1ab: {  	[tilespmem:s26+$0x1E0] =	vst v8;
	v8 =	vadd.f32 v11, v7;
	v11 =	vmul.f32 $8.999999760e-01, v15;
	v15 =	vld [tilespmem:s26+$0x270]  }
0x1ac: {  	[tilespmem:s26+$0x1F0] =	vst v9;
	v9 =	vadd.f32 v10, v1;
	v10 =	vmul.f32 $8.999999760e-01, v12;
	v12 =	vld [tilespmem:s26+$0x280]  }
0x1ad: {  	[tilespmem:s26+$0x200] =	vst v8;
	v8 =	vadd.f32 v11, v2;
	v11 =	vmul.f32 $8.999999760e-01, v14;
	v14 =	vld [tilespmem:s26+$0x290]  }
0x1ae: {  	[tilespmem:s26+$0x210] =	vst v9;
	v9 =	vadd.f32 v10, v3;
	v10 =	vmul.f32 $8.999999760e-01, v16;
	v16 =	vld [tilespmem:s26+$0x2A0]  }
0x1af: {  	[tilespmem:s26+$0x220] =	vst v8;
	v8 =	vadd.f32 v11, v4;
	v11 =	vmul.f32 $8.999999760e-01, v13;
	v13 =	vld [tilespmem:s26+$0x2B0]  }
0x1b0: {  	[tilespmem:s26+$0x230] =	vst v9;
	v9 =	vadd.f32 v10, v5;
	v10 =	vmul.f32 $8.999999760e-01, v15;
	v15 =	vld [tilespmem:s26+$0x2C0]  }
0x1b1: {  	[tilespmem:s26+$0x240] =	vst v8;
	v8 =	vadd.f32 v11, v6;
	v11 =	vmul.f32 $8.999999760e-01, v12;
	v12 =	vld [tilespmem:s26+$0x2D0]  }
0x1b2: {  	[tilespmem:s26+$0x250] =	vst v9;
	v9 =	vadd.f32 v10, v0;
	v10 =	vmul.f32 $8.999999760e-01, v14;
	v14 =	vld [tilespmem:s26+$0x2E0]  }
0x1b3: {  	[tilespmem:s26+$0x260] =	vst v8;
	v8 =	vadd.f32 v11, v7;
	v11 =	vmul.f32 $8.999999760e-01, v16;
	v16 =	vld [tilespmem:s26+$0x2F0]  }
0x1b4: {  	[tilespmem:s26+$0x270] =	vst v9;
	v9 =	vadd.f32 v10, v1;
	v10 =	vmul.f32 $8.999999760e-01, v13;
	v13 =	vld [tilespmem:s26+$0x300]  }
0x1b5: {  	[tilespmem:s26+$0x280] =	vst v8;
	v8 =	vadd.f32 v11, v2;
	v11 =	vmul.f32 $8.999999760e-01, v15;
	v15 =	vld [tilespmem:s26+$0x310]  }
0x1b6: {  	[tilespmem:s26+$0x290] =	vst v9;
	v9 =	vadd.f32 v10, v3;
	v10 =	vmul.f32 $8.999999760e-01, v12;
	v12 =	vld [tilespmem:s26+$0x320]  }
0x1b7: {  	[tilespmem:s26+$0x2A0] =	vst v8;
	v8 =	vadd.f32 v11, v4;
	v11 =	vmul.f32 $8.999999760e-01, v14;
	v14 =	vld [tilespmem:s26+$0x330]  }
0x1b8: {  	[tilespmem:s26+$0x2B0] =	vst v9;
	v9 =	vadd.f32 v10, v5;
	v10 =	vmul.f32 $8.999999760e-01, v16;
	v16 =	vld [tilespmem:s26+$0x340]  }
0x1b9: {  	[tilespmem:s26+$0x2C0] =	vst v8;
	v8 =	vadd.f32 v11, v6;
	v11 =	vmul.f32 $8.999999760e-01, v13;
	v13 =	vld [tilespmem:s26+$0x350]  }
0x1ba: {  	[tilespmem:s26+$0x2D0] =	vst v9;
	v9 =	vadd.f32 v10, v0;
	v10 =	vmul.f32 $8.999999760e-01, v15;
	v15 =	vld [tilespmem:s26+$0x360]  }
0x1bb: {  	[tilespmem:s26+$0x2E0] =	vst v8;
	v8 =	vadd.f32 v11, v7;
	v11 =	vmul.f32 $8.999999760e-01, v12;
	v12 =	vld [tilespmem:s26+$0x370]  }
0x1bc: {  	[tilespmem:s26+$0x2F0] =	vst v9;
	v9 =	vadd.f32 v10, v1;
	v10 =	vmul.f32 $8.999999760e-01, v14;
	v14 =	vld [tilespmem:s26+$0x380]  }
0x1bd: {  	[tilespmem:s26+$0x300] =	vst v8;
	v8 =	vadd.f32 v11, v2;
	v11 =	vmul.f32 $8.999999760e-01, v16;
	v16 =	vld [tilespmem:s26+$0x390]  }
0x1be: {  	[tilespmem:s26+$0x310] =	vst v9;
	v9 =	vadd.f32 v10, v3;
	v10 =	vmul.f32 $8.999999760e-01, v13;
	v17 =	vld [tilespmem:s26+$0x3A0]  }
.Ltmp2:
0x1bf: {  	[tilespmem:s26+$0x320] =	vst v8;
	v11 =	vadd.f32 v11, v4;
	v13 =	vmul.f32 $8.999999760e-01, v15;
	v8 =	vld [tilespmem:s26+$0x3B0];
	(pc) =	sbr.rel @p0 .LBB2_6-.Ltmp2, $4  }
0x1c0: {  	[tilespmem:s26+$0x330] =	vst v9;
	v15 =	vadd.f32 v10, v5;
	v12 =	vmul.f32 $8.999999760e-01, v12;
	v9 =	vld [tilespmem:s26+$0x3C0]  }
0x1c1: {  	[tilespmem:s26+$0x340] =	vst v11;
	v18 =	vadd.f32 v13, v6;
	v19 =	vmul.f32 $8.999999760e-01, v14;
	v10 =	vld [tilespmem:s26+$0x3D0]  }
0x1c2: {  	[tilespmem:s26+$0x350] =	vst v15;
	v13 =	vadd.f32 v12, v0;
	v14 =	vmul.f32 $8.999999760e-01, v16;
	v11 =	vld [tilespmem:s26+$0x3E0]  }
0x1c3: {  	s26 =	sadd.s32 $0x400, s26;
	v12 =	vld [tilespmem:s24+$0x0];
	[tilespmem:s24+$0x360] =	vst v18;
	v15 =	vadd.f32 v19, v7;
	v16 =	vmul.f32 $8.999999760e-01, v17  }
0x1c4: {  	[tilespmem:s24+$0x370] =	vst v13;
	v13 =	vadd.f32 v14, v1;
	v8 =	vmul.f32 $8.999999760e-01, v8  }
0x1c5: {  	[tilespmem:s24+$0x380] =	vst v15;
	v14 =	vadd.f32 v16, v2;
	v9 =	vmul.f32 $8.999999760e-01, v9  }
0x1c6: {  	[tilespmem:s24+$0x390] =	vst v13;
	v8 =	vadd.f32 v8, v3;
	v10 =	vmul.f32 $8.999999760e-01, v10  }
0x1c7: {  	[tilespmem:s24+$0x3A0] =	vst v14;
	v9 =	vadd.f32 v9, v4;
	v11 =	vmul.f32 $8.999999760e-01, v11  }
0x1c8: {  	v12 =	vmul.f32 $8.999999760e-01, v12;
	[tilespmem:s24+$0x3B0] =	vst v8;
	v8 =	vadd.f32 v10, v5  }
0x1c9: {  	[tilespmem:s24+$0x3C0] =	vst v9;
	v9 =	vadd.f32 v11, v6  }
0x1ca: {  	v10 =	vadd.f32 v12, v7;
	[tilespmem:s24+$0x3D0] =	vst v8  }
0x1cb: {  	[tilespmem:s24+$0x3E0] =	vst v9  }
0x1cc: {  	[tilespmem:s24+$0x0] =	vst v10  }
0x1cd: {  	[hbm4b:s3+s10] =	stream.indirect.scatter [tilespmem:s14], [sflag:$0x7], $0x80, s13, s10, $0xb8;
	[tilespmem:$0x10280] =	vst v63  }
0x1ce: {  	_ =	swait.ge [sflag:s21], $0x4000  }
0x1cf: {  	[sflag:s21] =	ssyncset.done $0x0  }
0x1d0: {  	s24 =	simm.s32 $0xC200;
	[sflag:s21] =	ssyncadd.s32 $0xFFFFC000  }
0x1d1: {  	v8 =	vld [tilespmem:s24+$0x3F0]  }
0x1d2: {  	v9 =	vld [tilespmem:s24+$0x10]  }
0x1d3: {  	v10 =	vld [tilespmem:s24+$0x20]  }
0x1d4: {  	v11 =	vld [tilespmem:s24+$0x30]  }
0x1d5: {  	v12 =	vld [tilespmem:s24+$0x40]  }
0x1d6: {  	v13 =	vld [tilespmem:s24+$0x50];
	v8 =	vmul.f32 $8.999999760e-01, v8  }
0x1d7: {  	v14 =	vld [tilespmem:s24+$0x60];
	v9 =	vmul.f32 $8.999999760e-01, v9  }
0x1d8: {  	v15 =	vld [tilespmem:s24+$0x70];
	v10 =	vmul.f32 $8.999999760e-01, v10;
	v8 =	vadd.f32 v8, v0  }
0x1d9: {  	v16 =	vld [tilespmem:s24+$0x80];
	v11 =	vmul.f32 $8.999999760e-01, v11;
	v9 =	vadd.f32 v9, v1  }
0x1da: {  	v17 =	vld [tilespmem:s24+$0x90];
	v12 =	vmul.f32 $8.999999760e-01, v12;
	v10 =	vadd.f32 v10, v2;
	[tilespmem:s24+$0x3F0] =	vst v8  }
0x1db: {  	[tilespmem:s24+$0x10] =	vst v9;
	v8 =	vadd.f32 v11, v3;
	v9 =	vmul.f32 $8.999999760e-01, v13;
	v11 =	vld [tilespmem:s24+$0xA0]  }
0x1dc: {  	[tilespmem:s24+$0x20] =	vst v10;
	v10 =	vadd.f32 v12, v4;
	v12 =	vmul.f32 $8.999999760e-01, v14;
	v13 =	vld [tilespmem:s24+$0xB0]  }
0x1dd: {  	v14 =	vld [tilespmem:s24+$0xC0];
	[tilespmem:s24+$0x30] =	vst v8;
	v8 =	vadd.f32 v9, v5;
	v9 =	vmul.f32 $8.999999760e-01, v15  }
0x1de: {  	[tilespmem:s24+$0x40] =	vst v10;
	v10 =	vadd.f32 v12, v6;
	v12 =	vmul.f32 $8.999999760e-01, v16;
	v15 =	vld [tilespmem:s24+$0xD0]  }
0x1df: {  	v16 =	vld [tilespmem:s24+$0xE0];
	[tilespmem:s24+$0x50] =	vst v8;
	v8 =	vadd.f32 v9, v0;
	v9 =	vmul.f32 $8.999999760e-01, v17  }
0x1e0: {  	[tilespmem:s24+$0x60] =	vst v10;
	v10 =	vadd.f32 v12, v7;
	v12 =	vld [tilespmem:s24+$0xF0];
	v11 =	vmul.f32 $8.999999760e-01, v11  }
0x1e1: {  	[tilespmem:s24+$0x70] =	vst v8;
	v8 =	vadd.f32 v9, v1;
	v9 =	vmul.f32 $8.999999760e-01, v13;
	v13 =	vld [tilespmem:s24+$0x100]  }
0x1e2: {  	[tilespmem:s24+$0x80] =	vst v10;
	v10 =	vadd.f32 v11, v2;
	v11 =	vmul.f32 $8.999999760e-01, v14;
	v14 =	vld [tilespmem:s24+$0x110]  }
0x1e3: {  	[tilespmem:s24+$0x90] =	vst v8;
	v8 =	vadd.f32 v9, v3;
	v9 =	vmul.f32 $8.999999760e-01, v15;
	v15 =	vld [tilespmem:s24+$0x120]  }
0x1e4: {  	[tilespmem:s24+$0xA0] =	vst v10;
	v10 =	vadd.f32 v11, v4;
	v11 =	vmul.f32 $8.999999760e-01, v16;
	v16 =	vld [tilespmem:s24+$0x130]  }
0x1e5: {  	[tilespmem:s24+$0xB0] =	vst v8;
	v8 =	vadd.f32 v9, v5;
	v9 =	vmul.f32 $8.999999760e-01, v12;
	v12 =	vld [tilespmem:s24+$0x140]  }
0x1e6: {  	[tilespmem:s24+$0xC0] =	vst v10;
	v10 =	vadd.f32 v11, v6;
	v11 =	vmul.f32 $8.999999760e-01, v13;
	v13 =	vld [tilespmem:s24+$0x150]  }
0x1e7: {  	[tilespmem:s24+$0xD0] =	vst v8;
	v8 =	vadd.f32 v9, v0;
	v9 =	vmul.f32 $8.999999760e-01, v14;
	v14 =	vld [tilespmem:s24+$0x160]  }
0x1e8: {  	[tilespmem:s24+$0xE0] =	vst v10;
	v10 =	vadd.f32 v11, v7;
	v11 =	vmul.f32 $8.999999760e-01, v15;
	v15 =	vld [tilespmem:s24+$0x170]  }
0x1e9: {  	[tilespmem:s24+$0xF0] =	vst v8;
	v8 =	vadd.f32 v9, v1;
	v9 =	vmul.f32 $8.999999760e-01, v16;
	v16 =	vld [tilespmem:s24+$0x180]  }
0x1ea: {  	[tilespmem:s24+$0x100] =	vst v10;
	v10 =	vadd.f32 v11, v2;
	v11 =	vmul.f32 $8.999999760e-01, v12;
	v12 =	vld [tilespmem:s24+$0x190]  }
0x1eb: {  	[tilespmem:s24+$0x110] =	vst v8;
	v8 =	vadd.f32 v9, v3;
	v9 =	vmul.f32 $8.999999760e-01, v13;
	v13 =	vld [tilespmem:s24+$0x1A0]  }
0x1ec: {  	[tilespmem:s24+$0x120] =	vst v10;
	v10 =	vadd.f32 v11, v4;
	v11 =	vmul.f32 $8.999999760e-01, v14;
	v14 =	vld [tilespmem:s24+$0x1B0]  }
0x1ed: {  	[tilespmem:s24+$0x130] =	vst v8;
	v8 =	vadd.f32 v9, v5;
	v9 =	vmul.f32 $8.999999760e-01, v15;
	v15 =	vld [tilespmem:s24+$0x1C0]  }
0x1ee: {  	[tilespmem:s24+$0x140] =	vst v10;
	v10 =	vadd.f32 v11, v6;
	v11 =	vmul.f32 $8.999999760e-01, v16;
	v16 =	vld [tilespmem:s24+$0x1D0]  }
0x1ef: {  	[tilespmem:s24+$0x150] =	vst v8;
	v8 =	vadd.f32 v9, v0;
	v9 =	vmul.f32 $8.999999760e-01, v12;
	v12 =	vld [tilespmem:s24+$0x1E0]  }
0x1f0: {  	[tilespmem:s24+$0x160] =	vst v10;
	v10 =	vadd.f32 v11, v7;
	v11 =	vmul.f32 $8.999999760e-01, v13;
	v13 =	vld [tilespmem:s24+$0x1F0]  }
0x1f1: {  	[tilespmem:s24+$0x170] =	vst v8;
	v8 =	vadd.f32 v9, v1;
	v9 =	vmul.f32 $8.999999760e-01, v14;
	v14 =	vld [tilespmem:s24+$0x200]  }
0x1f2: {  	[tilespmem:s24+$0x180] =	vst v10;
	v10 =	vadd.f32 v11, v2;
	v11 =	vmul.f32 $8.999999760e-01, v15;
	v15 =	vld [tilespmem:s24+$0x210]  }
0x1f3: {  	[tilespmem:s24+$0x190] =	vst v8;
	v8 =	vadd.f32 v9, v3;
	v9 =	vmul.f32 $8.999999760e-01, v16;
	v16 =	vld [tilespmem:s24+$0x220]  }
0x1f4: {  	[tilespmem:s24+$0x1A0] =	vst v10;
	v10 =	vadd.f32 v11, v4;
	v11 =	vmul.f32 $8.999999760e-01, v12;
	v12 =	vld [tilespmem:s24+$0x230]  }
0x1f5: {  	[tilespmem:s24+$0x1B0] =	vst v8;
	v8 =	vadd.f32 v9, v5;
	v9 =	vmul.f32 $8.999999760e-01, v13;
	v13 =	vld [tilespmem:s24+$0x240]  }
0x1f6: {  	[tilespmem:s24+$0x1C0] =	vst v10;
	v10 =	vadd.f32 v11, v6;
	v11 =	vmul.f32 $8.999999760e-01, v14;
	v14 =	vld [tilespmem:s24+$0x250]  }
0x1f7: {  	[tilespmem:s24+$0x1D0] =	vst v8;
	v8 =	vadd.f32 v9, v0;
	v9 =	vmul.f32 $8.999999760e-01, v15;
	v15 =	vld [tilespmem:s24+$0x260]  }
0x1f8: {  	[tilespmem:s24+$0x1E0] =	vst v10;
	v10 =	vadd.f32 v11, v7;
	v11 =	vmul.f32 $8.999999760e-01, v16;
	v16 =	vld [tilespmem:s24+$0x270]  }
0x1f9: {  	[tilespmem:s24+$0x1F0] =	vst v8;
	v8 =	vadd.f32 v9, v1;
	v9 =	vmul.f32 $8.999999760e-01, v12;
	v12 =	vld [tilespmem:s24+$0x280]  }
0x1fa: {  	[tilespmem:s24+$0x200] =	vst v10;
	v10 =	vadd.f32 v11, v2;
	v11 =	vmul.f32 $8.999999760e-01, v13;
	v13 =	vld [tilespmem:s24+$0x290]  }
0x1fb: {  	[tilespmem:s24+$0x210] =	vst v8;
	v8 =	vadd.f32 v9, v3;
	v9 =	vmul.f32 $8.999999760e-01, v14;
	v14 =	vld [tilespmem:s24+$0x2A0]  }
0x1fc: {  	[tilespmem:s24+$0x220] =	vst v10;
	v10 =	vadd.f32 v11, v4;
	v11 =	vmul.f32 $8.999999760e-01, v15;
	v15 =	vld [tilespmem:s24+$0x2B0]  }
0x1fd: {  	[tilespmem:s24+$0x230] =	vst v8;
	v8 =	vadd.f32 v9, v5;
	v9 =	vmul.f32 $8.999999760e-01, v16;
	v16 =	vld [tilespmem:s24+$0x2C0]  }
0x1fe: {  	[tilespmem:s24+$0x240] =	vst v10;
	v10 =	vadd.f32 v11, v6;
	v11 =	vmul.f32 $8.999999760e-01, v12;
	v12 =	vld [tilespmem:s24+$0x2D0]  }
0x1ff: {  	[tilespmem:s24+$0x250] =	vst v8;
	v8 =	vadd.f32 v9, v0;
	v9 =	vmul.f32 $8.999999760e-01, v13;
	v13 =	vld [tilespmem:s24+$0x2E0]  }
0x200: {  	[tilespmem:s24+$0x260] =	vst v10;
	v10 =	vadd.f32 v11, v7;
	v11 =	vmul.f32 $8.999999760e-01, v14;
	v14 =	vld [tilespmem:s24+$0x2F0]  }
0x201: {  	[tilespmem:s24+$0x270] =	vst v8;
	v8 =	vadd.f32 v9, v1;
	v9 =	vmul.f32 $8.999999760e-01, v15;
	v15 =	vld [tilespmem:s24+$0x300]  }
0x202: {  	[tilespmem:s24+$0x280] =	vst v10;
	v10 =	vadd.f32 v11, v2;
	v11 =	vmul.f32 $8.999999760e-01, v16;
	v16 =	vld [tilespmem:s24+$0x310]  }
0x203: {  	[tilespmem:s24+$0x290] =	vst v8;
	v8 =	vadd.f32 v9, v3;
	v9 =	vmul.f32 $8.999999760e-01, v12;
	v12 =	vld [tilespmem:s24+$0x320]  }
0x204: {  	[tilespmem:s24+$0x2A0] =	vst v10;
	v10 =	vadd.f32 v11, v4;
	v11 =	vmul.f32 $8.999999760e-01, v13;
	v13 =	vld [tilespmem:s24+$0x330]  }
0x205: {  	[tilespmem:s24+$0x2B0] =	vst v8;
	v8 =	vadd.f32 v9, v5;
	v9 =	vmul.f32 $8.999999760e-01, v14;
	v14 =	vld [tilespmem:s24+$0x340]  }
0x206: {  	[tilespmem:s24+$0x2C0] =	vst v10;
	v10 =	vadd.f32 v11, v6;
	v11 =	vmul.f32 $8.999999760e-01, v15;
	v15 =	vld [tilespmem:s24+$0x350]  }
0x207: {  	[tilespmem:s24+$0x2D0] =	vst v8;
	v8 =	vadd.f32 v9, v0;
	v9 =	vmul.f32 $8.999999760e-01, v16;
	v16 =	vld [tilespmem:s24+$0x360]  }
0x208: {  	[tilespmem:s24+$0x2E0] =	vst v10;
	v10 =	vadd.f32 v11, v7;
	v11 =	vmul.f32 $8.999999760e-01, v12;
	v12 =	vld [tilespmem:s24+$0x370]  }
0x209: {  	[tilespmem:s24+$0x2F0] =	vst v8;
	v8 =	vadd.f32 v9, v1;
	v9 =	vmul.f32 $8.999999760e-01, v13;
	v13 =	vld [tilespmem:s24+$0x380]  }
0x20a: {  	[tilespmem:s24+$0x300] =	vst v10;
	v10 =	vadd.f32 v11, v2;
	v11 =	vmul.f32 $8.999999760e-01, v14;
	v14 =	vld [tilespmem:s24+$0x390]  }
0x20b: {  	v17 =	vld [tilespmem:s24+$0x3A0];
	[tilespmem:s24+$0x310] =	vst v8;
	v9 =	vadd.f32 v9, v3;
	v15 =	vmul.f32 $8.999999760e-01, v15  }
0x20c: {  	v8 =	vld [tilespmem:s24+$0x3B0];
	[tilespmem:s24+$0x320] =	vst v10;
	v10 =	vadd.f32 v11, v4;
	v11 =	vmul.f32 $8.999999760e-01, v16  }
0x20d: {  	[tilespmem:s24+$0x330] =	vst v9;
	v15 =	vadd.f32 v15, v5;
	v12 =	vmul.f32 $8.999999760e-01, v12;
	v9 =	vld [tilespmem:s24+$0x3C0]  }
0x20e: {  	[tilespmem:s24+$0x340] =	vst v10;
	v16 =	vadd.f32 v11, v6;
	v18 =	vmul.f32 $8.999999760e-01, v13;
	v10 =	vld [tilespmem:s24+$0x3D0]  }
0x20f: {  	v11 =	vld [tilespmem:s24+$0x3E0];
	[tilespmem:s24+$0x350] =	vst v15;
	v13 =	vadd.f32 v12, v0;
	v14 =	vmul.f32 $8.999999760e-01, v14  }
0x210: {  	s25 =	simm.s32 $0x180;
	s26 =	simm.s32 $0xC600;
	v12 =	vld [tilespmem:s24+$0x0];
	[tilespmem:s24+$0x360] =	vst v16;
	v15 =	vadd.f32 v18, v7;
	v16 =	vmul.f32 $8.999999760e-01, v17  }
.LBB2_8:
0x211: {  	v17 =	vld [tilespmem:s26+$0x3F0];
	s25 =	sadd.s32 $0x8, s25;
	[tilespmem:s24+$0x370] =	vst v13;
	v13 =	vadd.f32 v14, v1;
	v8 =	vmul.f32 $8.999999760e-01, v8  }
0x212: {  	v14 =	vld [tilespmem:s26+$0x10];
	p0 =	slt.u32 s25, $0x1F8;
	[tilespmem:s24+$0x380] =	vst v15;
	v15 =	vadd.f32 v16, v2;
	v9 =	vmul.f32 $8.999999760e-01, v9  }
0x213: {  	v16 =	vld [tilespmem:s26+$0x20];
	[tilespmem:s24+$0x390] =	vst v13;
	v8 =	vadd.f32 v8, v3;
	v10 =	vmul.f32 $8.999999760e-01, v10  }
0x214: {  	v13 =	vld [tilespmem:s26+$0x30];
	[tilespmem:s24+$0x3A0] =	vst v15;
	v9 =	vadd.f32 v9, v4;
	v11 =	vmul.f32 $8.999999760e-01, v11  }
0x215: {  	v15 =	vld [tilespmem:s26+$0x40];
	v12 =	vmul.f32 $8.999999760e-01, v12;
	[tilespmem:s24+$0x3B0] =	vst v8;
	v8 =	vadd.f32 v10, v5  }
0x216: {  	v10 =	vld [tilespmem:s26+$0x50];
	v17 =	vmul.f32 $8.999999760e-01, v17;
	[tilespmem:s24+$0x3C0] =	vst v9;
	v9 =	vadd.f32 v11, v6  }
0x217: {  	v11 =	vmul.f32 $8.999999760e-01, v14;
	v14 =	vld [tilespmem:s26+$0x60];
	v12 =	vadd.f32 v12, v7;
	[tilespmem:s24+$0x3D0] =	vst v8  }
0x218: {  	v8 =	vmul.f32 $8.999999760e-01, v16;
	v16 =	vld [tilespmem:s26+$0x70];
	v17 =	vadd.f32 v17, v0;
	[tilespmem:s24+$0x3E0] =	vst v9  }
0x219: {  	v9 =	vadd.f32 v11, v1;
	v11 =	vmul.f32 $8.999999760e-01, v13;
	v13 =	vld [tilespmem:s26+$0x80];
	[tilespmem:s24+$0x0] =	vst v12;
	s24 =	smov.u32 s26  }
0x21a: {  	v8 =	vadd.f32 v8, v2;
	v12 =	vmul.f32 $8.999999760e-01, v15;
	v15 =	vld [tilespmem:s26+$0x90];
	[tilespmem:s26+$0x3F0] =	vst v17  }
0x21b: {  	[tilespmem:s26+$0x10] =	vst v9;
	v9 =	vadd.f32 v11, v3;
	v10 =	vmul.f32 $8.999999760e-01, v10;
	v11 =	vld [tilespmem:s26+$0xA0]  }
0x21c: {  	[tilespmem:s26+$0x20] =	vst v8;
	v8 =	vadd.f32 v12, v4;
	v12 =	vmul.f32 $8.999999760e-01, v14;
	v14 =	vld [tilespmem:s26+$0xB0]  }
0x21d: {  	[tilespmem:s26+$0x30] =	vst v9;
	v9 =	vadd.f32 v10, v5;
	v10 =	vmul.f32 $8.999999760e-01, v16;
	v16 =	vld [tilespmem:s26+$0xC0]  }
0x21e: {  	[tilespmem:s26+$0x40] =	vst v8;
	v8 =	vadd.f32 v12, v6;
	v12 =	vmul.f32 $8.999999760e-01, v13;
	v13 =	vld [tilespmem:s26+$0xD0]  }
0x21f: {  	[tilespmem:s26+$0x50] =	vst v9;
	v9 =	vadd.f32 v10, v0;
	v10 =	vmul.f32 $8.999999760e-01, v15;
	v15 =	vld [tilespmem:s26+$0xE0]  }
0x220: {  	[tilespmem:s26+$0x60] =	vst v8;
	v8 =	vadd.f32 v12, v7;
	v11 =	vmul.f32 $8.999999760e-01, v11;
	v12 =	vld [tilespmem:s26+$0xF0]  }
0x221: {  	[tilespmem:s26+$0x70] =	vst v9;
	v9 =	vadd.f32 v10, v1;
	v10 =	vmul.f32 $8.999999760e-01, v14;
	v14 =	vld [tilespmem:s26+$0x100]  }
0x222: {  	[tilespmem:s26+$0x80] =	vst v8;
	v8 =	vadd.f32 v11, v2;
	v11 =	vmul.f32 $8.999999760e-01, v16;
	v16 =	vld [tilespmem:s26+$0x110]  }
0x223: {  	[tilespmem:s26+$0x90] =	vst v9;
	v9 =	vadd.f32 v10, v3;
	v10 =	vmul.f32 $8.999999760e-01, v13;
	v13 =	vld [tilespmem:s26+$0x120]  }
0x224: {  	[tilespmem:s26+$0xA0] =	vst v8;
	v8 =	vadd.f32 v11, v4;
	v11 =	vmul.f32 $8.999999760e-01, v15;
	v15 =	vld [tilespmem:s26+$0x130]  }
0x225: {  	[tilespmem:s26+$0xB0] =	vst v9;
	v9 =	vadd.f32 v10, v5;
	v10 =	vmul.f32 $8.999999760e-01, v12;
	v12 =	vld [tilespmem:s26+$0x140]  }
0x226: {  	[tilespmem:s26+$0xC0] =	vst v8;
	v8 =	vadd.f32 v11, v6;
	v11 =	vmul.f32 $8.999999760e-01, v14;
	v14 =	vld [tilespmem:s26+$0x150]  }
0x227: {  	[tilespmem:s26+$0xD0] =	vst v9;
	v9 =	vadd.f32 v10, v0;
	v10 =	vmul.f32 $8.999999760e-01, v16;
	v16 =	vld [tilespmem:s26+$0x160]  }
0x228: {  	[tilespmem:s26+$0xE0] =	vst v8;
	v8 =	vadd.f32 v11, v7;
	v11 =	vmul.f32 $8.999999760e-01, v13;
	v13 =	vld [tilespmem:s26+$0x170]  }
0x229: {  	[tilespmem:s26+$0xF0] =	vst v9;
	v9 =	vadd.f32 v10, v1;
	v10 =	vmul.f32 $8.999999760e-01, v15;
	v15 =	vld [tilespmem:s26+$0x180]  }
0x22a: {  	[tilespmem:s26+$0x100] =	vst v8;
	v8 =	vadd.f32 v11, v2;
	v11 =	vmul.f32 $8.999999760e-01, v12;
	v12 =	vld [tilespmem:s26+$0x190]  }
0x22b: {  	[tilespmem:s26+$0x110] =	vst v9;
	v9 =	vadd.f32 v10, v3;
	v10 =	vmul.f32 $8.999999760e-01, v14;
	v14 =	vld [tilespmem:s26+$0x1A0]  }
0x22c: {  	[tilespmem:s26+$0x120] =	vst v8;
	v8 =	vadd.f32 v11, v4;
	v11 =	vmul.f32 $8.999999760e-01, v16;
	v16 =	vld [tilespmem:s26+$0x1B0]  }
0x22d: {  	[tilespmem:s26+$0x130] =	vst v9;
	v9 =	vadd.f32 v10, v5;
	v10 =	vmul.f32 $8.999999760e-01, v13;
	v13 =	vld [tilespmem:s26+$0x1C0]  }
0x22e: {  	[tilespmem:s26+$0x140] =	vst v8;
	v8 =	vadd.f32 v11, v6;
	v11 =	vmul.f32 $8.999999760e-01, v15;
	v15 =	vld [tilespmem:s26+$0x1D0]  }
0x22f: {  	[tilespmem:s26+$0x150] =	vst v9;
	v9 =	vadd.f32 v10, v0;
	v10 =	vmul.f32 $8.999999760e-01, v12;
	v12 =	vld [tilespmem:s26+$0x1E0]  }
0x230: {  	[tilespmem:s26+$0x160] =	vst v8;
	v8 =	vadd.f32 v11, v7;
	v11 =	vmul.f32 $8.999999760e-01, v14;
	v14 =	vld [tilespmem:s26+$0x1F0]  }
0x231: {  	[tilespmem:s26+$0x170] =	vst v9;
	v9 =	vadd.f32 v10, v1;
	v10 =	vmul.f32 $8.999999760e-01, v16;
	v16 =	vld [tilespmem:s26+$0x200]  }
0x232: {  	[tilespmem:s26+$0x180] =	vst v8;
	v8 =	vadd.f32 v11, v2;
	v11 =	vmul.f32 $8.999999760e-01, v13;
	v13 =	vld [tilespmem:s26+$0x210]  }
0x233: {  	[tilespmem:s26+$0x190] =	vst v9;
	v9 =	vadd.f32 v10, v3;
	v10 =	vmul.f32 $8.999999760e-01, v15;
	v15 =	vld [tilespmem:s26+$0x220]  }
0x234: {  	[tilespmem:s26+$0x1A0] =	vst v8;
	v8 =	vadd.f32 v11, v4;
	v11 =	vmul.f32 $8.999999760e-01, v12;
	v12 =	vld [tilespmem:s26+$0x230]  }
0x235: {  	[tilespmem:s26+$0x1B0] =	vst v9;
	v9 =	vadd.f32 v10, v5;
	v10 =	vmul.f32 $8.999999760e-01, v14;
	v14 =	vld [tilespmem:s26+$0x240]  }
0x236: {  	[tilespmem:s26+$0x1C0] =	vst v8;
	v8 =	vadd.f32 v11, v6;
	v11 =	vmul.f32 $8.999999760e-01, v16;
	v16 =	vld [tilespmem:s26+$0x250]  }
0x237: {  	[tilespmem:s26+$0x1D0] =	vst v9;
	v9 =	vadd.f32 v10, v0;
	v10 =	vmul.f32 $8.999999760e-01, v13;
	v13 =	vld [tilespmem:s26+$0x260]  }
0x238: {  	[tilespmem:s26+$0x1E0] =	vst v8;
	v8 =	vadd.f32 v11, v7;
	v11 =	vmul.f32 $8.999999760e-01, v15;
	v15 =	vld [tilespmem:s26+$0x270]  }
0x239: {  	[tilespmem:s26+$0x1F0] =	vst v9;
	v9 =	vadd.f32 v10, v1;
	v10 =	vmul.f32 $8.999999760e-01, v12;
	v12 =	vld [tilespmem:s26+$0x280]  }
0x23a: {  	[tilespmem:s26+$0x200] =	vst v8;
	v8 =	vadd.f32 v11, v2;
	v11 =	vmul.f32 $8.999999760e-01, v14;
	v14 =	vld [tilespmem:s26+$0x290]  }
0x23b: {  	[tilespmem:s26+$0x210] =	vst v9;
	v9 =	vadd.f32 v10, v3;
	v10 =	vmul.f32 $8.999999760e-01, v16;
	v16 =	vld [tilespmem:s26+$0x2A0]  }
0x23c: {  	[tilespmem:s26+$0x220] =	vst v8;
	v8 =	vadd.f32 v11, v4;
	v11 =	vmul.f32 $8.999999760e-01, v13;
	v13 =	vld [tilespmem:s26+$0x2B0]  }
0x23d: {  	[tilespmem:s26+$0x230] =	vst v9;
	v9 =	vadd.f32 v10, v5;
	v10 =	vmul.f32 $8.999999760e-01, v15;
	v15 =	vld [tilespmem:s26+$0x2C0]  }
0x23e: {  	[tilespmem:s26+$0x240] =	vst v8;
	v8 =	vadd.f32 v11, v6;
	v11 =	vmul.f32 $8.999999760e-01, v12;
	v12 =	vld [tilespmem:s26+$0x2D0]  }
0x23f: {  	[tilespmem:s26+$0x250] =	vst v9;
	v9 =	vadd.f32 v10, v0;
	v10 =	vmul.f32 $8.999999760e-01, v14;
	v14 =	vld [tilespmem:s26+$0x2E0]  }
0x240: {  	[tilespmem:s26+$0x260] =	vst v8;
	v8 =	vadd.f32 v11, v7;
	v11 =	vmul.f32 $8.999999760e-01, v16;
	v16 =	vld [tilespmem:s26+$0x2F0]  }
0x241: {  	[tilespmem:s26+$0x270] =	vst v9;
	v9 =	vadd.f32 v10, v1;
	v10 =	vmul.f32 $8.999999760e-01, v13;
	v13 =	vld [tilespmem:s26+$0x300]  }
0x242: {  	[tilespmem:s26+$0x280] =	vst v8;
	v8 =	vadd.f32 v11, v2;
	v11 =	vmul.f32 $8.999999760e-01, v15;
	v15 =	vld [tilespmem:s26+$0x310]  }
0x243: {  	[tilespmem:s26+$0x290] =	vst v9;
	v9 =	vadd.f32 v10, v3;
	v10 =	vmul.f32 $8.999999760e-01, v12;
	v12 =	vld [tilespmem:s26+$0x320]  }
0x244: {  	[tilespmem:s26+$0x2A0] =	vst v8;
	v8 =	vadd.f32 v11, v4;
	v11 =	vmul.f32 $8.999999760e-01, v14;
	v14 =	vld [tilespmem:s26+$0x330]  }
0x245: {  	[tilespmem:s26+$0x2B0] =	vst v9;
	v9 =	vadd.f32 v10, v5;
	v10 =	vmul.f32 $8.999999760e-01, v16;
	v16 =	vld [tilespmem:s26+$0x340]  }
0x246: {  	[tilespmem:s26+$0x2C0] =	vst v8;
	v8 =	vadd.f32 v11, v6;
	v11 =	vmul.f32 $8.999999760e-01, v13;
	v13 =	vld [tilespmem:s26+$0x350]  }
0x247: {  	[tilespmem:s26+$0x2D0] =	vst v9;
	v9 =	vadd.f32 v10, v0;
	v10 =	vmul.f32 $8.999999760e-01, v15;
	v15 =	vld [tilespmem:s26+$0x360]  }
0x248: {  	[tilespmem:s26+$0x2E0] =	vst v8;
	v8 =	vadd.f32 v11, v7;
	v11 =	vmul.f32 $8.999999760e-01, v12;
	v12 =	vld [tilespmem:s26+$0x370]  }
0x249: {  	[tilespmem:s26+$0x2F0] =	vst v9;
	v9 =	vadd.f32 v10, v1;
	v10 =	vmul.f32 $8.999999760e-01, v14;
	v14 =	vld [tilespmem:s26+$0x380]  }
0x24a: {  	[tilespmem:s26+$0x300] =	vst v8;
	v8 =	vadd.f32 v11, v2;
	v11 =	vmul.f32 $8.999999760e-01, v16;
	v16 =	vld [tilespmem:s26+$0x390]  }
0x24b: {  	[tilespmem:s26+$0x310] =	vst v9;
	v9 =	vadd.f32 v10, v3;
	v10 =	vmul.f32 $8.999999760e-01, v13;
	v17 =	vld [tilespmem:s26+$0x3A0]  }
.Ltmp3:
0x24c: {  	[tilespmem:s26+$0x320] =	vst v8;
	v11 =	vadd.f32 v11, v4;
	v13 =	vmul.f32 $8.999999760e-01, v15;
	v8 =	vld [tilespmem:s26+$0x3B0];
	(pc) =	sbr.rel @p0 .LBB2_8-.Ltmp3, $4  }
0x24d: {  	[tilespmem:s26+$0x330] =	vst v9;
	v15 =	vadd.f32 v10, v5;
	v12 =	vmul.f32 $8.999999760e-01, v12;
	v9 =	vld [tilespmem:s26+$0x3C0]  }
0x24e: {  	[tilespmem:s26+$0x340] =	vst v11;
	v18 =	vadd.f32 v13, v6;
	v19 =	vmul.f32 $8.999999760e-01, v14;
	v10 =	vld [tilespmem:s26+$0x3D0]  }
0x24f: {  	[tilespmem:s26+$0x350] =	vst v15;
	v13 =	vadd.f32 v12, v0;
	v14 =	vmul.f32 $8.999999760e-01, v16;
	v11 =	vld [tilespmem:s26+$0x3E0]  }
0x250: {  	s26 =	sadd.s32 $0x400, s26;
	v12 =	vld [tilespmem:s24+$0x0];
	[tilespmem:s24+$0x360] =	vst v18;
	v15 =	vadd.f32 v19, v7;
	v16 =	vmul.f32 $8.999999760e-01, v17  }
0x251: {  	[tilespmem:s24+$0x370] =	vst v13;
	v0 =	vadd.f32 v14, v1;
	v54 =	vmul.f32 $8.999999760e-01, v8  }
0x252: {  	[tilespmem:s24+$0x380] =	vst v15;
	v2 =	vadd.f32 v16, v2;
	v55 =	vmul.f32 $8.999999760e-01, v9  }
0x253: {  	[tilespmem:s24+$0x390] =	vst v0;
	v56 =	vadd.f32 v54, v3;
	v57 =	vmul.f32 $8.999999760e-01, v10  }
0x254: {  	[tilespmem:s24+$0x3A0] =	vst v2;
	v58 =	vadd.f32 v55, v4;
	v59 =	vmul.f32 $8.999999760e-01, v11  }
0x255: {  	v60 =	vmul.f32 $8.999999760e-01, v12;
	[tilespmem:s24+$0x3B0] =	vst v56;
	v61 =	vadd.f32 v57, v5  }
0x256: {  	[tilespmem:s24+$0x3C0] =	vst v58;
	v62 =	vadd.f32 v59, v6  }
0x257: {  	v63 =	vadd.f32 v60, v7;
	[tilespmem:s24+$0x3D0] =	vst v61  }
0x258: {  	[tilespmem:s24+$0x3E0] =	vst v62  }
0x259: {  	[tilespmem:s24+$0x0] =	vst v63  }
0x25a: {  	[hbm4b:s3+s10] =	stream.indirect.scatter [tilespmem:s16], [sflag:$0x7], $0x80, s15, s10, $0xb8;
	[tilespmem:$0x10280] =	vst v63  }
0x25b: {  	_ =	swait.ge [sflag:s22], $0x4000  }
0x25c: {  	[sflag:s22] =	ssyncset.done $0x0  }
0x25d: {  	[sflag:s22] =	ssyncadd.s32 $0xFFFFC000  }
0x25e: {  	_ =	swait.ge [sflag:s22], $0x4000  }
0x25f: {  	[sflag:s22] =	ssyncset.done $0x0  }
0x260: {  	s23 =	sadd.s32 $0x1, s23;
	[sflag:s22] =	ssyncadd.s32 $0xFFFFC000  }
0x261: {  	p0 =	sne.s32 s23, s7;
	_ =	swait.ge [sflag:s22], $0x4000  }
.Ltmp4:
0x262: {  	[sflag:s22] =	ssyncset.done $0x0;
	(pc) =	sbr.rel @p0 .LBB2_1-.Ltmp4, $4  }
0x263: {  	[sflag:s22] =	ssyncadd.s32 $0xFFFFC000  }
0x264: {  	_ =	swait.ge [sflag:s22], $0x4000  }
0x265: {  	[sflag:s22] =	ssyncset.done $0x0  }
0x266: {  	[sflag:s22] =	ssyncadd.s32 $0xFFFFC000  }
0x267: {  	_ =	sfence.sel $0x180000  }
0x268: {  	[bflag:$0x0] =	sbarrier.arrive $0xFFFF  }
0x269: {  	p0 =	sne.s32 s5, $0x0;
	_ =	strace $0x90000047  }
0x26a: {  	s0 =	sadd.s32 @!p0 $0x100000, s0;
	[bflag:$0x2] =	sbarrier.arrive $0xFFFF  }
0x26b: {  	[sflag:s0] =	ssyncadd.tile.s32 @!p0 $0x1;
	_ =	shalt  }
.Lfunc_end2:
_tile_overlayer_lowered:
.L_overlay_start_2:
0x26c: {  	(tag) =	ssettag $0x2  }
0x26d: {  	s0 =	rddreg [dreg:$0x0];
	s2 =	stileid.u32  }
0x26e: {  	s1 =	rddreg [dreg:$0x1];
	p0 =	sne.s32 s2, $0x0  }
0x26f: {  	s3 =	rddreg [dreg:$0x2];
	[bflag:$0x3] =	sbarrier.arrive $0xFFFF;
	s2 =	simm.s32 @!p0 $0x1C08  }
0x270: {  	[timem:s3], [sflag:s2] =	dma.local @!p0 [hbm:s0], s1  }
0x271: {  	s0 =	simm.s32 @!p0 $0x8  }
0x272: {  	_ =	swait.ge @!p0 [sflag:s0], s1  }
0x273: {  	s1 =	ssub.s32 @!p0 $0x0, s1;
	[sflag:s0] =	ssyncset.done @!p0 $0x0  }
0x274: {  	[sflag:s0] =	ssyncadd.s32 @!p0 s1  }
0x275: {  	[bflag:$0x3] =	sbarrier.arrive $0xFFFF  }
0x276: {  	_ =	shalt  }

</sc_bundles>
